<compile_context>
chip_gen: v7x
topology: tpu7x:2x2x1
jax: 0.10.2.dev20260603
libtpu: 0.0.44.dev20260713+nightly
codegen_flags: <defaults>
</compile_context>

<pallas_src>
import functools

import jax
import jax.numpy as jnp
from jax import lax

from jax.experimental import pallas as pl
from jax.experimental.pallas import tpu as pltpu
from jax.experimental.pallas import tpu_sc as plsc

try:
    from jax._src.core import empty_ref as _jax_empty_ref

    def _make_s_ref(shape, dtype):
        return _jax_empty_ref(jax.ShapeDtypeStruct(shape, dtype))
except ImportError:
    def _make_s_ref(shape, dtype):
        return jax.new_ref(jnp.zeros(shape, dtype))

N = 1000000
RHO = 0.99
ALPHA = 0.5
TEMP = 0.5
B = 4096
EPS = 1e-6

NC = 2
NS = 16
NW = NC * NS
CHUNK = B // NW
LANES = 16
CPCH = 31248
TAIL = N - NW * CPCH
TAIL_OFF = NW * CPCH


def _sc_gather_body(s_inv_hbm, idx_hbm, s_ref, sg_hbm,
                    idx_v, s_v, buf_v, tail_v, semi, semg, semc):
    wid = lax.axis_index("s") * NC + lax.axis_index("c")
    base = wid * CHUNK
    lo = wid * CPCH
    ci = pltpu.async_copy(idx_hbm.at[pl.ds(base, CHUNK)], idx_v, semi)
    cc = pltpu.async_copy(s_inv_hbm.at[pl.ds(lo, CPCH)], buf_v, semc)
    ct = pltpu.async_copy(s_inv_hbm.at[pl.ds(TAIL_OFF, TAIL)], tail_v, semg)
    ci.wait()
    cg = pltpu.async_copy(s_inv_hbm.at[idx_v], s_v, semi)
    cc.wait()
    cc2 = pltpu.async_copy(buf_v, s_ref.at[pl.ds(lo, CPCH)], semc)
    ct.wait()
    ct2 = pltpu.async_copy(tail_v, s_ref.at[pl.ds(TAIL_OFF, TAIL)], semg)
    cg.wait()
    co = pltpu.async_copy(s_v, sg_hbm.at[pl.ds(base, CHUNK)], semi)
    cc2.wait()
    ct2.wait()
    co.wait()


def _sc_update_body(s_ref, idx_hbm, sg_hbm, vr_hbm, rep_hbm,
                    idx_v, s_v, v4_v, r2_v, at_v, out_v, rep_v,
                    sem1, sem2, sem3, sem4, sem5):
    wid = lax.axis_index("s") * NC + lax.axis_index("c")
    base = wid * CHUNK
    ci = pltpu.async_copy(idx_hbm.at[pl.ds(base, CHUNK)], idx_v, sem1)
    cg = pltpu.async_copy(sg_hbm.at[pl.ds(base, CHUNK)], s_v, sem2)
    cv = pltpu.async_copy(vr_hbm.at[pl.ds(base, CHUNK)], v4_v, sem3)
    cr = pltpu.async_copy(vr_hbm.at[pl.ds(B + base, CHUNK)], r2_v, sem4)
    ca = pltpu.async_copy(vr_hbm.at[pl.ds(2 * B, LANES)], at_v, sem5)
    cg.wait()
    cv.wait()
    cr.wait()
    scale = jnp.float32((1.0 - RHO) * float(N) * float(N))
    rep_acc = jnp.zeros((LANES,), jnp.float32)
    for j in range(CHUNK // LANES):
        sl = pl.ds(j * LANES, LANES)
        s = s_v[sl]
        out_v[sl] = RHO * s + scale * v4_v[sl]
        rep_acc = rep_acc + r2_v[sl] / s
    ca.wait()
    inv_n2 = 1.0 / (float(N) * float(N) * float(LANES))
    w0 = jnp.where(wid == 0, jnp.float32(inv_n2), jnp.float32(0.0))
    rep_v[...] = rep_acc + at_v[...] * w0
    ci.wait()
    cs = pltpu.async_copy(out_v, s_ref.at[idx_v], sem1)
    cp = pltpu.async_copy(rep_v, rep_hbm.at[pl.ds(wid * LANES, LANES)], sem2)
    cs.wait()
    cp.wait()


def _dense_body(f_hbm, vr_hbm, a_v, b_v, vr_v, sema, semb, semo):
    ca = pltpu.async_copy(f_hbm.at[pl.ds(0, B)], a_v, sema)
    cb = pltpu.async_copy(f_hbm.at[pl.ds(B, B)], b_v, semb)
    ca.wait()
    a = a_v[...]
    na = jnp.maximum(jnp.sqrt(jnp.sum(a * a, axis=1, keepdims=True)), 1e-12)
    an = a / na
    cb.wait()
    b = b_v[...]
    nb = jnp.maximum(jnp.sqrt(jnp.sum(b * b, axis=1, keepdims=True)), 1e-12)
    bn = b / nb
    bro = pltpu.roll(bn, B - 1, 0)
    aro = pltpu.roll(an, B - 1, 0)
    d2aa = jnp.sum((an - bn + EPS) ** 2, axis=1, keepdims=True)
    d2bb = jnp.sum((bn - an + EPS) ** 2, axis=1, keepdims=True)
    d2ra = jnp.sum((an - bro + EPS) ** 2, axis=1, keepdims=True)
    d2rb = jnp.sum((bn - aro + EPS) ** 2, axis=1, keepdims=True)
    inv2t2 = 1.0 / (2.0 * TEMP * TEMP)
    qaa = jnp.exp(-inv2t2 * d2aa)
    qab = jnp.exp(-inv2t2 * d2bb)
    qra = jnp.exp(-inv2t2 * d2ra)
    qrb = jnp.exp(-inv2t2 * d2rb)
    v4 = (ALPHA * 0.5) * (qaa + qab) + ((1.0 - ALPHA) * 0.5) * (qra + qrb)
    r2 = qra + qrb
    attr = inv2t2 * jnp.sum(d2aa + d2bb)
    vr_v[0:32, :] = v4.reshape(32, 128)
    vr_v[32:64, :] = r2.reshape(32, 128)
    vr_v[64:72, :] = jnp.full((8, 128), attr, jnp.float32)
    pltpu.async_copy(vr_v, vr_hbm, semo).wait()


@functools.cache
def _build():
    sc_mesh = plsc.VectorSubcoreMesh(
        core_axis_name="c", subcore_axis_name="s", num_cores=NC, num_subcores=NS
    )
    sc_gather = pl.kernel(
        _sc_gather_body,
        out_type=jax.ShapeDtypeStruct((B,), jnp.float32),
        mesh=sc_mesh,
        scratch_types=[
            pltpu.VMEM((CHUNK,), jnp.int32),
            pltpu.VMEM((CHUNK,), jnp.float32),
            pltpu.VMEM((CPCH,), jnp.float32),
            pltpu.VMEM((TAIL,), jnp.float32),
            pltpu.SemaphoreType.DMA,
            pltpu.SemaphoreType.DMA,
            pltpu.SemaphoreType.DMA,
        ],
    )
    sc_update = pl.kernel(
        _sc_update_body,
        out_type=jax.ShapeDtypeStruct((NW * LANES,), jnp.float32),
        mesh=sc_mesh,
        scratch_types=[
            pltpu.VMEM((CHUNK,), jnp.int32),
            pltpu.VMEM((CHUNK,), jnp.float32),
            pltpu.VMEM((CHUNK,), jnp.float32),
            pltpu.VMEM((CHUNK,), jnp.float32),
            pltpu.VMEM((LANES,), jnp.float32),
            pltpu.VMEM((CHUNK,), jnp.float32),
            pltpu.VMEM((LANES,), jnp.float32),
            pltpu.SemaphoreType.DMA,
            pltpu.SemaphoreType.DMA,
            pltpu.SemaphoreType.DMA,
            pltpu.SemaphoreType.DMA,
            pltpu.SemaphoreType.DMA,
        ],
    )
    tc_mesh = pltpu.create_tensorcore_mesh("t", num_cores=1)
    dense = pl.kernel(
        _dense_body,
        out_type=jax.ShapeDtypeStruct((72, 128), jnp.float32),
        mesh=tc_mesh,
        scratch_types=[
            pltpu.VMEM((B, 128), jnp.float32),
            pltpu.VMEM((B, 128), jnp.float32),
            pltpu.VMEM((72, 128), jnp.float32),
            pltpu.SemaphoreType.DMA,
            pltpu.SemaphoreType.DMA,
            pltpu.SemaphoreType.DMA,
        ],
    )
    return sc_gather, sc_update, dense


def kernel(feats, s_inv, feats_idx):
    sc_gather, sc_update, dense = _build()
    idx = feats_idx.astype(jnp.int32)
    s_ref = _make_s_ref((N,), jnp.float32)
    s_gather = sc_gather(s_inv, idx, s_ref)
    vr = dense(feats)
    flat = vr.reshape(72 * 128)
    rep = sc_update(s_ref, idx, s_gather, flat)
    new_s_inv = s_ref[...]
    n2 = jnp.float32(N) * jnp.float32(N)
    loss = 0.5 * n2 * jnp.sum(rep) / jnp.float32(B)
    return loss, new_s_inv

# --- scband reference (transcript-rebuilt; emitter-appended) ---
"""Pipeline reference for scband-saclr1-68109591380640 (READ-ONLY COPY).

The authoritative reference and input builder live on the scoring server;
editing this copy changes nothing except your own understanding.
"""

import jax, jax.numpy as jnp
import numpy as np

N = 1000000
RHO = 0.99
ALPHA = 0.5
S_INIT = 1e-12
TEMP = 0.5


def setup_inputs(seed: int = 0) -> dict:
    key = jax.random.key(seed)
    k1, k2 = jax.random.split(key)
    feats = jax.random.normal(k1, (8192, 128), dtype=jnp.float32)
    feats_idx = jax.random.randint(k2, (4096,), 0, N)
    s_inv = jnp.full((N,), 1.0 / S_INIT, dtype=jnp.float32)
    return {"feats": feats, "s_inv": s_inv, "feats_idx": feats_idx}


def _q(x, y):
    # torch F.pairwise_distance(p=2, eps=1e-6) adds eps to the difference, then .pow(2)
    d2 = jnp.sum((x - y + 1e-6) ** 2, axis=1)
    return jnp.exp(-1.0 * d2 / (2.0 * TEMP ** 2))


def reference(feats, s_inv, feats_idx):
    B = feats.shape[0] // 2
    # F.normalize(p=2, dim=1) with default eps=1e-12
    norm = jnp.maximum(jnp.linalg.norm(feats, axis=1, keepdims=True), 1e-12)
    feats = feats / norm
    feats_a = feats[:B]
    feats_b = feats[B:]

    q_attr_a = _q(feats_a, feats_b)
    q_attr_b = _q(feats_b, feats_a)
    attractive_a = -jnp.log(q_attr_a)
    attractive_b = -jnp.log(q_attr_b)

    # neg_idxs = roll(arange(B), -1)
    feats_b_neg = jnp.roll(feats_b, -1, axis=0)
    feats_a_neg = jnp.roll(feats_a, -1, axis=0)
    q_rep_a = _q(feats_a, feats_b_neg)
    q_rep_b = _q(feats_b, feats_a_neg)

    Nf = jnp.asarray(N, dtype=jnp.float32)
    Z_hat = jnp.take(s_inv, feats_idx, axis=0) / (Nf ** 2)
    repulsive_a = q_rep_a / Z_hat
    repulsive_b = q_rep_b / Z_hat

    loss_a = attractive_a.mean() + repulsive_a.mean()
    loss_b = attractive_b.mean() + repulsive_b.mean()
    loss = (loss_a + loss_b) / 2.0

    # update_s (torch.no_grad buffer update) -> returned as second output since jax is functional
    q_attr_a_d = jax.lax.stop_gradient(q_attr_a)
    q_attr_b_d = jax.lax.stop_gradient(q_attr_b)
    q_rep_a_d = jax.lax.stop_gradient(q_rep_a)
    q_rep_b_d = jax.lax.stop_gradient(q_rep_b)
    xi_a = ALPHA * q_attr_a_d + (1.0 - ALPHA) * q_rep_a_d
    xi_b = ALPHA * q_attr_b_d + (1.0 - ALPHA) * q_rep_b_d
    s_gather = jnp.take(s_inv, feats_idx, axis=0)
    s_inv_a = RHO * s_gather + (1.0 - RHO) * (Nf ** 2) * xi_a
    s_inv_b = RHO * s_gather + (1.0 - RHO) * (Nf ** 2) * xi_b
    new_s_inv = s_inv.at[feats_idx].set((s_inv_a + s_inv_b) / 2.0)
    return loss, new_s_inv

if __name__ == "__main__":
    import jax
    _d = setup_inputs()
    print(jax.jit(kernel)(*tuple(_d.values())))

</pallas_src>

<mosaic_0001>
#map = affine_map<(d0, d1) -> (0)>
module attributes {stable_mosaic.version = 14 : i64} {
  func.func @new_body(%arg0: i32, %arg1: i32, %arg2: memref<1000000xf32, #tpu.memory_space<hbm>>, %arg3: memref<4096xi32, #tpu.memory_space<hbm>>, %arg4: memref<1000000xf32, #tpu.memory_space<hbm>>, %arg5: memref<4096xf32, #tpu.memory_space<hbm>>, %arg6: memref<1000000xf32, #tpu.memory_space<hbm>>, %arg7: memref<128xi32, #tpu.memory_space<vmem>>, %arg8: memref<128xf32, #tpu.memory_space<vmem>>, %arg9: memref<31248xf32, #tpu.memory_space<vmem>>, %arg10: memref<64xf32, #tpu.memory_space<vmem>>, %arg11: memref<!tpu.dma_semaphore, #tpu.memory_space<semaphore_mem>>, %arg12: memref<!tpu.dma_semaphore, #tpu.memory_space<semaphore_mem>>, %arg13: memref<!tpu.dma_semaphore, #tpu.memory_space<semaphore_mem>>) attributes {dimension_semantics = [#tpu.dimension_semantics<core_parallel>, #tpu.dimension_semantics<subcore_parallel>], iteration_bounds = array<i64: 2, 16>, scalar_prefetch = 0 : i64, scratch_operands = 7 : i64, tpu.core_type = #tpu.core_type<sc_vector_subcore>, window_params = [{transform_indices = #map}, {transform_indices = #map}, {transform_indices = #map}, {transform_indices = #map}, {transform_indices = #map}]} {
    %mul3A = arith.constant 2 : i32
    %mul3A_0 = arith.muli %arg1, %mul3A : i32
    %add3A = arith.addi %mul3A_0, %arg0 : i32
    %mul3A_1 = arith.constant 128 : i32
    %mul3A_2 = arith.muli %add3A, %mul3A_1 : i32
    %mul3A_3 = arith.constant 31248 : i32
    %mul3A_4 = arith.muli %add3A, %mul3A_3 : i32
    %dma_start3A = tpu.memref_slice %arg3[%mul3A_2] : memref<4096xi32, #tpu.memory_space<hbm>> -> memref<128xi32, #tpu.memory_space<hbm>>
    %dma_start3A_5 = tpu.memref_slice %arg3[%mul3A_2] : memref<4096xi32, #tpu.memory_space<hbm>> -> memref<128xi32, #tpu.memory_space<hbm>>
    tpu.enqueue_dma source(%dma_start3A_5 : memref<128xi32, #tpu.memory_space<hbm>>) target(%arg7 : memref<128xi32, #tpu.memory_space<vmem>>) target_semaphore(%arg11 : memref<!tpu.dma_semaphore, #tpu.memory_space<semaphore_mem>>)
    %dma_start3A_6 = tpu.memref_slice %arg2[%mul3A_4] : memref<1000000xf32, #tpu.memory_space<hbm>> -> memref<31248xf32, #tpu.memory_space<hbm>>
    %dma_start3A_7 = tpu.memref_slice %arg2[%mul3A_4] : memref<1000000xf32, #tpu.memory_space<hbm>> -> memref<31248xf32, #tpu.memory_space<hbm>>
    tpu.enqueue_dma source(%dma_start3A_7 : memref<31248xf32, #tpu.memory_space<hbm>>) target(%arg9 : memref<31248xf32, #tpu.memory_space<vmem>>) target_semaphore(%arg13 : memref<!tpu.dma_semaphore, #tpu.memory_space<semaphore_mem>>)
    %dma_start3A_8 = arith.constant 999936 : i32
    %dma_start3A_9 = tpu.memref_slice %arg2[%dma_start3A_8] : memref<1000000xf32, #tpu.memory_space<hbm>> -> memref<64xf32, #tpu.memory_space<hbm>>
    %dma_start3A_10 = arith.constant 999936 : i32
    %dma_start3A_11 = tpu.memref_slice %arg2[%dma_start3A_10] : memref<1000000xf32, #tpu.memory_space<hbm>> -> memref<64xf32, #tpu.memory_space<hbm>>
    tpu.enqueue_dma source(%dma_start3A_11 : memref<64xf32, #tpu.memory_space<hbm>>) target(%arg10 : memref<64xf32, #tpu.memory_space<vmem>>) target_semaphore(%arg12 : memref<!tpu.dma_semaphore, #tpu.memory_space<semaphore_mem>>)
    %dma_wait3A = tpu.memref_slice %arg3[%mul3A_2] : memref<4096xi32, #tpu.memory_space<hbm>> -> memref<128xi32, #tpu.memory_space<hbm>>
    %dma_wait3A_12 = tpu.memref_slice %arg3[%mul3A_2] : memref<4096xi32, #tpu.memory_space<hbm>> -> memref<128xi32, #tpu.memory_space<hbm>>
    tpu.wait_dma2 semaphore(%arg11 : memref<!tpu.dma_semaphore, #tpu.memory_space<semaphore_mem>>) src(%dma_wait3A_12 : memref<128xi32, #tpu.memory_space<hbm>>) dst(%arg7 : memref<128xi32, #tpu.memory_space<vmem>>)
    %dma_start3A_13 = arith.constant 0 : i32
    %dma_start3A_14 = tpu.memref_slice %arg2[%dma_start3A_13] : memref<1000000xf32, #tpu.memory_space<hbm>> -> memref<1000000xf32, #tpu.memory_space<hbm>>
    tpu.enqueue_indirect_dma source(%dma_start3A_14 : memref<1000000xf32, #tpu.memory_space<hbm>>) target(%arg8 : memref<128xf32, #tpu.memory_space<vmem>>) offsets(%arg7 : memref<128xi32, #tpu.memory_space<vmem>>) semaphore(%arg11 : memref<!tpu.dma_semaphore, #tpu.memory_space<semaphore_mem>>)
    %dma_wait3A_15 = tpu.memref_slice %arg2[%mul3A_4] : memref<1000000xf32, #tpu.memory_space<hbm>> -> memref<31248xf32, #tpu.memory_space<hbm>>
    %dma_wait3A_16 = tpu.memref_slice %arg2[%mul3A_4] : memref<1000000xf32, #tpu.memory_space<hbm>> -> memref<31248xf32, #tpu.memory_space<hbm>>
    tpu.wait_dma2 semaphore(%arg13 : memref<!tpu.dma_semaphore, #tpu.memory_space<semaphore_mem>>) src(%dma_wait3A_16 : memref<31248xf32, #tpu.memory_space<hbm>>) dst(%arg9 : memref<31248xf32, #tpu.memory_space<vmem>>)
    %dma_start3A_17 = tpu.memref_slice %arg4[%mul3A_4] : memref<1000000xf32, #tpu.memory_space<hbm>> -> memref<31248xf32, #tpu.memory_space<hbm>>
    %dma_start3A_18 = tpu.memref_slice %arg4[%mul3A_4] : memref<1000000xf32, #tpu.memory_space<hbm>> -> memref<31248xf32, #tpu.memory_space<hbm>>
    tpu.enqueue_dma source(%arg9 : memref<31248xf32, #tpu.memory_space<vmem>>) target(%dma_start3A_18 : memref<31248xf32, #tpu.memory_space<hbm>>) target_semaphore(%arg13 : memref<!tpu.dma_semaphore, #tpu.memory_space<semaphore_mem>>)
    %dma_wait3A_19 = arith.constant 999936 : i32
    %dma_wait3A_20 = tpu.memref_slice %arg2[%dma_wait3A_19] : memref<1000000xf32, #tpu.memory_space<hbm>> -> memref<64xf32, #tpu.memory_space<hbm>>
    %dma_wait3A_21 = arith.constant 999936 : i32
    %dma_wait3A_22 = tpu.memref_slice %arg2[%dma_wait3A_21] : memref<1000000xf32, #tpu.memory_space<hbm>> -> memref<64xf32, #tpu.memory_space<hbm>>
    tpu.wait_dma2 semaphore(%arg12 : memref<!tpu.dma_semaphore, #tpu.memory_space<semaphore_mem>>) src(%dma_wait3A_22 : memref<64xf32, #tpu.memory_space<hbm>>) dst(%arg10 : memref<64xf32, #tpu.memory_space<vmem>>)
    %dma_start3A_23 = arith.constant 999936 : i32
    %dma_start3A_24 = tpu.memref_slice %arg4[%dma_start3A_23] : memref<1000000xf32, #tpu.memory_space<hbm>> -> memref<64xf32, #tpu.memory_space<hbm>>
    %dma_start3A_25 = arith.constant 999936 : i32
    %dma_start3A_26 = tpu.memref_slice %arg4[%dma_start3A_25] : memref<1000000xf32, #tpu.memory_space<hbm>> -> memref<64xf32, #tpu.memory_space<hbm>>
    tpu.enqueue_dma source(%arg10 : memref<64xf32, #tpu.memory_space<vmem>>) target(%dma_start3A_26 : memref<64xf32, #tpu.memory_space<hbm>>) target_semaphore(%arg12 : memref<!tpu.dma_semaphore, #tpu.memory_space<semaphore_mem>>)
    %dma_wait3A_27 = arith.constant 0 : i32
    %dma_wait3A_28 = tpu.memref_slice %arg2[%dma_wait3A_27] : memref<1000000xf32, #tpu.memory_space<hbm>> -> memref<1000000xf32, #tpu.memory_space<hbm>>
    tpu.wait_indirect_dma semaphore(%arg11 : memref<!tpu.dma_semaphore, #tpu.memory_space<semaphore_mem>>) src(%dma_wait3A_28 : memref<1000000xf32, #tpu.memory_space<hbm>>) dst(%arg8 : memref<128xf32, #tpu.memory_space<vmem>>)
    %dma_start3A_29 = tpu.memref_slice %arg5[%mul3A_2] : memref<4096xf32, #tpu.memory_space<hbm>> -> memref<128xf32, #tpu.memory_space<hbm>>
    %dma_start3A_30 = tpu.memref_slice %arg5[%mul3A_2] : memref<4096xf32, #tpu.memory_space<hbm>> -> memref<128xf32, #tpu.memory_space<hbm>>
    tpu.enqueue_dma source(%arg8 : memref<128xf32, #tpu.memory_space<vmem>>) target(%dma_start3A_30 : memref<128xf32, #tpu.memory_space<hbm>>) target_semaphore(%arg11 : memref<!tpu.dma_semaphore, #tpu.memory_space<semaphore_mem>>)
    %dma_wait3A_31 = tpu.memref_slice %arg4[%mul3A_4] : memref<1000000xf32, #tpu.memory_space<hbm>> -> memref<31248xf32, #tpu.memory_space<hbm>>
    %dma_wait3A_32 = tpu.memref_slice %arg4[%mul3A_4] : memref<1000000xf32, #tpu.memory_space<hbm>> -> memref<31248xf32, #tpu.memory_space<hbm>>
    tpu.wait_dma2 semaphore(%arg13 : memref<!tpu.dma_semaphore, #tpu.memory_space<semaphore_mem>>) src(%arg9 : memref<31248xf32, #tpu.memory_space<vmem>>) dst(%dma_wait3A_32 : memref<31248xf32, #tpu.memory_space<hbm>>)
    %dma_wait3A_33 = arith.constant 999936 : i32
    %dma_wait3A_34 = tpu.memref_slice %arg4[%dma_wait3A_33] : memref<1000000xf32, #tpu.memory_space<hbm>> -> memref<64xf32, #tpu.memory_space<hbm>>
    %dma_wait3A_35 = arith.constant 999936 : i32
    %dma_wait3A_36 = tpu.memref_slice %arg4[%dma_wait3A_35] : memref<1000000xf32, #tpu.memory_space<hbm>> -> memref<64xf32, #tpu.memory_space<hbm>>
    tpu.wait_dma2 semaphore(%arg12 : memref<!tpu.dma_semaphore, #tpu.memory_space<semaphore_mem>>) src(%arg10 : memref<64xf32, #tpu.memory_space<vmem>>) dst(%dma_wait3A_36 : memref<64xf32, #tpu.memory_space<hbm>>)
    %dma_wait3A_37 = tpu.memref_slice %arg5[%mul3A_2] : memref<4096xf32, #tpu.memory_space<hbm>> -> memref<128xf32, #tpu.memory_space<hbm>>
    %dma_wait3A_38 = tpu.memref_slice %arg5[%mul3A_2] : memref<4096xf32, #tpu.memory_space<hbm>> -> memref<128xf32, #tpu.memory_space<hbm>>
    tpu.wait_dma2 semaphore(%arg11 : memref<!tpu.dma_semaphore, #tpu.memory_space<semaphore_mem>>) src(%arg8 : memref<128xf32, #tpu.memory_space<vmem>>) dst(%dma_wait3A_38 : memref<128xf32, #tpu.memory_space<hbm>>)
    return
  }
}

#map = affine_map<(d0, d1) -> (0)>
module attributes {stable_mosaic.version = 14 : i64} {
  func.func @new_body(%arg0: i32, %arg1: i32, %arg2: memref<1000000xf32, #tpu.memory_space<hbm>>, %arg3: memref<4096xi32, #tpu.memory_space<hbm>>, %arg4: memref<4096xf32, #tpu.memory_space<hbm>>, %arg5: memref<9216xf32, #tpu.memory_space<hbm>>, %arg6: memref<512xf32, #tpu.memory_space<hbm>>, %arg7: memref<1000000xf32, #tpu.memory_space<hbm>>, %arg8: memref<128xi32, #tpu.memory_space<vmem>>, %arg9: memref<128xf32, #tpu.memory_space<vmem>>, %arg10: memref<128xf32, #tpu.memory_space<vmem>>, %arg11: memref<128xf32, #tpu.memory_space<vmem>>, %arg12: memref<16xf32, #tpu.memory_space<vmem>>, %arg13: memref<128xf32, #tpu.memory_space<vmem>>, %arg14: memref<16xf32, #tpu.memory_space<vmem>>, %arg15: memref<!tpu.dma_semaphore, #tpu.memory_space<semaphore_mem>>, %arg16: memref<!tpu.dma_semaphore, #tpu.memory_space<semaphore_mem>>, %arg17: memref<!tpu.dma_semaphore, #tpu.memory_space<semaphore_mem>>, %arg18: memref<!tpu.dma_semaphore, #tpu.memory_space<semaphore_mem>>, %arg19: memref<!tpu.dma_semaphore, #tpu.memory_space<semaphore_mem>>) attributes {dimension_semantics = [#tpu.dimension_semantics<core_parallel>, #tpu.dimension_semantics<subcore_parallel>], iteration_bounds = array<i64: 2, 16>, scalar_prefetch = 0 : i64, scratch_operands = 12 : i64, tpu.core_type = #tpu.core_type<sc_vector_subcore>, window_params = [{transform_indices = #map}, {transform_indices = #map}, {transform_indices = #map}, {transform_indices = #map}, {transform_indices = #map}, {transform_indices = #map}]} {
    %mul3A = arith.constant 2 : i32
    %mul3A_0 = arith.muli %arg1, %mul3A : i32
    %add3A = arith.addi %mul3A_0, %arg0 : i32
    %mul3A_1 = arith.constant 128 : i32
    %mul3A_2 = arith.muli %add3A, %mul3A_1 : i32
    %dma_start3A = tpu.memref_slice %arg3[%mul3A_2] : memref<4096xi32, #tpu.memory_space<hbm>> -> memref<128xi32, #tpu.memory_space<hbm>>
    %dma_start3A_3 = tpu.memref_slice %arg3[%mul3A_2] : memref<4096xi32, #tpu.memory_space<hbm>> -> memref<128xi32, #tpu.memory_space<hbm>>
    tpu.enqueue_dma source(%dma_start3A_3 : memref<128xi32, #tpu.memory_space<hbm>>) target(%arg8 : memref<128xi32, #tpu.memory_space<vmem>>) target_semaphore(%arg15 : memref<!tpu.dma_semaphore, #tpu.memory_space<semaphore_mem>>)
    %dma_start3A_4 = tpu.memref_slice %arg4[%mul3A_2] : memref<4096xf32, #tpu.memory_space<hbm>> -> memref<128xf32, #tpu.memory_space<hbm>>
    %dma_start3A_5 = tpu.memref_slice %arg4[%mul3A_2] : memref<4096xf32, #tpu.memory_space<hbm>> -> memref<128xf32, #tpu.memory_space<hbm>>
    tpu.enqueue_dma source(%dma_start3A_5 : memref<128xf32, #tpu.memory_space<hbm>>) target(%arg9 : memref<128xf32, #tpu.memory_space<vmem>>) target_semaphore(%arg16 : memref<!tpu.dma_semaphore, #tpu.memory_space<semaphore_mem>>)
    %dma_start3A_6 = tpu.memref_slice %arg5[%mul3A_2] : memref<9216xf32, #tpu.memory_space<hbm>> -> memref<128xf32, #tpu.memory_space<hbm>>
    %dma_start3A_7 = tpu.memref_slice %arg5[%mul3A_2] : memref<9216xf32, #tpu.memory_space<hbm>> -> memref<128xf32, #tpu.memory_space<hbm>>
    tpu.enqueue_dma source(%dma_start3A_7 : memref<128xf32, #tpu.memory_space<hbm>>) target(%arg10 : memref<128xf32, #tpu.memory_space<vmem>>) target_semaphore(%arg17 : memref<!tpu.dma_semaphore, #tpu.memory_space<semaphore_mem>>)
    %add3A_8 = arith.constant 4096 : i32
    %add3A_9 = arith.addi %add3A_8, %mul3A_2 : i32
    %dma_start3A_10 = tpu.memref_slice %arg5[%add3A_9] : memref<9216xf32, #tpu.memory_space<hbm>> -> memref<128xf32, #tpu.memory_space<hbm>>
    %dma_start3A_11 = tpu.memref_slice %arg5[%add3A_9] : memref<9216xf32, #tpu.memory_space<hbm>> -> memref<128xf32, #tpu.memory_space<hbm>>
    tpu.enqueue_dma source(%dma_start3A_11 : memref<128xf32, #tpu.memory_space<hbm>>) target(%arg11 : memref<128xf32, #tpu.memory_space<vmem>>) target_semaphore(%arg18 : memref<!tpu.dma_semaphore, #tpu.memory_space<semaphore_mem>>)
    %dma_start3A_12 = arith.constant 8192 : i32
    %dma_start3A_13 = tpu.memref_slice %arg5[%dma_start3A_12] : memref<9216xf32, #tpu.memory_space<hbm>> -> memref<16xf32, #tpu.memory_space<hbm>>
    %dma_start3A_14 = arith.constant 8192 : i32
    %dma_start3A_15 = tpu.memref_slice %arg5[%dma_start3A_14] : memref<9216xf32, #tpu.memory_space<hbm>> -> memref<16xf32, #tpu.memory_space<hbm>>
    tpu.enqueue_dma source(%dma_start3A_15 : memref<16xf32, #tpu.memory_space<hbm>>) target(%arg12 : memref<16xf32, #tpu.memory_space<vmem>>) target_semaphore(%arg19 : memref<!tpu.dma_semaphore, #tpu.memory_space<semaphore_mem>>)
    %dma_wait3A = tpu.memref_slice %arg4[%mul3A_2] : memref<4096xf32, #tpu.memory_space<hbm>> -> memref<128xf32, #tpu.memory_space<hbm>>
    %dma_wait3A_16 = tpu.memref_slice %arg4[%mul3A_2] : memref<4096xf32, #tpu.memory_space<hbm>> -> memref<128xf32, #tpu.memory_space<hbm>>
    tpu.wait_dma2 semaphore(%arg16 : memref<!tpu.dma_semaphore, #tpu.memory_space<semaphore_mem>>) src(%dma_wait3A_16 : memref<128xf32, #tpu.memory_space<hbm>>) dst(%arg9 : memref<128xf32, #tpu.memory_space<vmem>>)
    %dma_wait3A_17 = tpu.memref_slice %arg5[%mul3A_2] : memref<9216xf32, #tpu.memory_space<hbm>> -> memref<128xf32, #tpu.memory_space<hbm>>
    %dma_wait3A_18 = tpu.memref_slice %arg5[%mul3A_2] : memref<9216xf32, #tpu.memory_space<hbm>> -> memref<128xf32, #tpu.memory_space<hbm>>
    tpu.wait_dma2 semaphore(%arg17 : memref<!tpu.dma_semaphore, #tpu.memory_space<semaphore_mem>>) src(%dma_wait3A_18 : memref<128xf32, #tpu.memory_space<hbm>>) dst(%arg10 : memref<128xf32, #tpu.memory_space<vmem>>)
    %dma_wait3A_19 = tpu.memref_slice %arg5[%add3A_9] : memref<9216xf32, #tpu.memory_space<hbm>> -> memref<128xf32, #tpu.memory_space<hbm>>
    %dma_wait3A_20 = tpu.memref_slice %arg5[%add3A_9] : memref<9216xf32, #tpu.memory_space<hbm>> -> memref<128xf32, #tpu.memory_space<hbm>>
    tpu.wait_dma2 semaphore(%arg18 : memref<!tpu.dma_semaphore, #tpu.memory_space<semaphore_mem>>) src(%dma_wait3A_20 : memref<128xf32, #tpu.memory_space<hbm>>) dst(%arg11 : memref<128xf32, #tpu.memory_space<vmem>>)
    %broadcast_in_dim3A = arith.constant 0.000000e+00 : f32
    %broadcast_in_dim3A_21 = vector.broadcast %broadcast_in_dim3A : f32 to vector<16xf32>
    %get3A = arith.constant 0 : index
    %get3A_22 = tpu.vector_load %arg9[%get3A] {strides = array<i32>} : memref<128xf32, #tpu.memory_space<vmem>>, vector<16xf32>,
    %get3A_23 = vector.shape_cast %get3A_22 : vector<16xf32> to vector<16xf32>
    %mul3A_24 = arith.constant 9.900000e-01 : f32
    %mul3A_25 = vector.broadcast %mul3A_24 : f32 to vector<16xf32>
    %mul3A_26 = arith.mulf %mul3A_25, %get3A_23 : vector<16xf32>
    %get3A_27 = arith.constant 0 : index
    %get3A_28 = tpu.vector_load %arg10[%get3A_27] {strides = array<i32>} : memref<128xf32, #tpu.memory_space<vmem>>, vector<16xf32>,
    %get3A_29 = vector.shape_cast %get3A_28 : vector<16xf32> to vector<16xf32>
    %mul3A_30 = arith.constant 1.000000e+10 : f32
    %mul3A_31 = vector.broadcast %mul3A_30 : f32 to vector<16xf32>
    %mul3A_32 = arith.mulf %mul3A_31, %get3A_29 : vector<16xf32>
    %add3A_33 = arith.addf %mul3A_26, %mul3A_32 : vector<16xf32>
    %swap3A = arith.constant 0 : index
    %swap3A_34 = tpu.vector_load %arg13[%swap3A] {strides = array<i32>} : memref<128xf32, #tpu.memory_space<vmem>>, vector<16xf32>,
    %swap3A_35 = vector.shape_cast %swap3A_34 : vector<16xf32> to vector<16xf32>
    %swap3A_36 = vector.shape_cast %add3A_33 : vector<16xf32> to vector<16xf32>
    tpu.vector_store %arg13[%swap3A], %swap3A_36 {strides = array<i32>} : memref<128xf32, #tpu.memory_space<vmem>>, vector<16xf32>,
    %get3A_37 = arith.constant 0 : index
    %get3A_38 = tpu.vector_load %arg11[%get3A_37] {strides = array<i32>} : memref<128xf32, #tpu.memory_space<vmem>>, vector<16xf32>,
    %get3A_39 = vector.shape_cast %get3A_38 : vector<16xf32> to vector<16xf32>
    %div3A = arith.divf %get3A_39, %get3A_23 : vector<16xf32>
    %add3A_40 = arith.addf %broadcast_in_dim3A_21, %div3A : vector<16xf32>
    %get3A_41 = arith.constant 16 : index
    %get3A_42 = tpu.vector_load %arg9[%get3A_41] {strides = array<i32>} : memref<128xf32, #tpu.memory_space<vmem>>, vector<16xf32>,
    %get3A_43 = vector.shape_cast %get3A_42 : vector<16xf32> to vector<16xf32>
    %mul3A_44 = arith.constant 9.900000e-01 : f32
    %mul3A_45 = vector.broadcast %mul3A_44 : f32 to vector<16xf32>
    %mul3A_46 = arith.mulf %mul3A_45, %get3A_43 : vector<16xf32>
    %get3A_47 = arith.constant 16 : index
    %get3A_48 = tpu.vector_load %arg10[%get3A_47] {strides = array<i32>} : memref<128xf32, #tpu.memory_space<vmem>>, vector<16xf32>,
    %get3A_49 = vector.shape_cast %get3A_48 : vector<16xf32> to vector<16xf32>
    %mul3A_50 = arith.constant 1.000000e+10 : f32
    %mul3A_51 = vector.broadcast %mul3A_50 : f32 to vector<16xf32>
    %mul3A_52 = arith.mulf %mul3A_51, %get3A_49 : vector<16xf32>
    %add3A_53 = arith.addf %mul3A_46, %mul3A_52 : vector<16xf32>
    %swap3A_54 = arith.constant 16 : index
    %swap3A_55 = tpu.vector_load %arg13[%swap3A_54] {strides = array<i32>} : memref<128xf32, #tpu.memory_space<vmem>>, vector<16xf32>,
    %swap3A_56 = vector.shape_cast %swap3A_55 : vector<16xf32> to vector<16xf32>
    %swap3A_57 = vector.shape_cast %add3A_53 : vector<16xf32> to vector<16xf32>
    tpu.vector_store %arg13[%swap3A_54], %swap3A_57 {strides = array<i32>} : memref<128xf32, #tpu.memory_space<vmem>>, vector<16xf32>,
    %get3A_58 = arith.constant 16 : index
    %get3A_59 = tpu.vector_load %arg11[%get3A_58] {strides = array<i32>} : memref<128xf32, #tpu.memory_space<vmem>>, vector<16xf32>,
    %get3A_60 = vector.shape_cast %get3A_59 : vector<16xf32> to vector<16xf32>
    %div3A_61 = arith.divf %get3A_60, %get3A_43 : vector<16xf32>
    %add3A_62 = arith.addf %add3A_40, %div3A_61 : vector<16xf32>
    %get3A_63 = arith.constant 32 : index
    %get3A_64 = tpu.vector_load %arg9[%get3A_63] {strides = array<i32>} : memref<128xf32, #tpu.memory_space<vmem>>, vector<16xf32>,
    %get3A_65 = vector.shape_cast %get3A_64 : vector<16xf32> to vector<16xf32>
    %mul3A_66 = arith.constant 9.900000e-01 : f32
    %mul3A_67 = vector.broadcast %mul3A_66 : f32 to vector<16xf32>
    %mul3A_68 = arith.mulf %mul3A_67, %get3A_65 : vector<16xf32>
    %get3A_69 = arith.constant 32 : index
    %get3A_70 = tpu.vector_load %arg10[%get3A_69] {strides = array<i32>} : memref<128xf32, #tpu.memory_space<vmem>>, vector<16xf32>,
    %get3A_71 = vector.shape_cast %get3A_70 : vector<16xf32> to vector<16xf32>
    %mul3A_72 = arith.constant 1.000000e+10 : f32
    %mul3A_73 = vector.broadcast %mul3A_72 : f32 to vector<16xf32>
    %mul3A_74 = arith.mulf %mul3A_73, %get3A_71 : vector<16xf32>
    %add3A_75 = arith.addf %mul3A_68, %mul3A_74 : vector<16xf32>
    %swap3A_76 = arith.constant 32 : index
    %swap3A_77 = tpu.vector_load %arg13[%swap3A_76] {strides = array<i32>} : memref<128xf32, #tpu.memory_space<vmem>>, vector<16xf32>,
    %swap3A_78 = vector.shape_cast %swap3A_77 : vector<16xf32> to vector<16xf32>
    %swap3A_79 = vector.shape_cast %add3A_75 : vector<16xf32> to vector<16xf32>
    tpu.vector_store %arg13[%swap3A_76], %swap3A_79 {strides = array<i32>} : memref<128xf32, #tpu.memory_space<vmem>>, vector<16xf32>,
    %get3A_80 = arith.constant 32 : index
    %get3A_81 = tpu.vector_load %arg11[%get3A_80] {strides = array<i32>} : memref<128xf32, #tpu.memory_space<vmem>>, vector<16xf32>,
    %get3A_82 = vector.shape_cast %get3A_81 : vector<16xf32> to vector<16xf32>
    %div3A_83 = arith.divf %get3A_82, %get3A_65 : vector<16xf32>
    %add3A_84 = arith.addf %add3A_62, %div3A_83 : vector<16xf32>
    %get3A_85 = arith.constant 48 : index
    %get3A_86 = tpu.vector_load %arg9[%get3A_85] {strides = array<i32>} : memref<128xf32, #tpu.memory_space<vmem>>, vector<16xf32>,
    %get3A_87 = vector.shape_cast %get3A_86 : vector<16xf32> to vector<16xf32>
    %mul3A_88 = arith.constant 9.900000e-01 : f32
    %mul3A_89 = vector.broadcast %mul3A_88 : f32 to vector<16xf32>
    %mul3A_90 = arith.mulf %mul3A_89, %get3A_87 : vector<16xf32>
    %get3A_91 = arith.constant 48 : index
    %get3A_92 = tpu.vector_load %arg10[%get3A_91] {strides = array<i32>} : memref<128xf32, #tpu.memory_space<vmem>>, vector<16xf32>,
    %get3A_93 = vector.shape_cast %get3A_92 : vector<16xf32> to vector<16xf32>
    %mul3A_94 = arith.constant 1.000000e+10 : f32
    %mul3A_95 = vector.broadcast %mul3A_94 : f32 to vector<16xf32>
    %mul3A_96 = arith.mulf %mul3A_95, %get3A_93 : vector<16xf32>
    %add3A_97 = arith.addf %mul3A_90, %mul3A_96 : vector<16xf32>
    %swap3A_98 = arith.constant 48 : index
    %swap3A_99 = tpu.vector_load %arg13[%swap3A_98] {strides = array<i32>} : memref<128xf32, #tpu.memory_space<vmem>>, vector<16xf32>,
    %swap3A_100 = vector.shape_cast %swap3A_99 : vector<16xf32> to vector<16xf32>
    %swap3A_101 = vector.shape_cast %add3A_97 : vector<16xf32> to vector<16xf32>
    tpu.vector_store %arg13[%swap3A_98], %swap3A_101 {strides = array<i32>} : memref<128xf32, #tpu.memory_space<vmem>>, vector<16xf32>,
    %get3A_102 = arith.constant 48 : index
    %get3A_103 = tpu.vector_load %arg11[%get3A_102] {strides = array<i32>} : memref<128xf32, #tpu.memory_space<vmem>>, vector<16xf32>,
    %get3A_104 = vector.shape_cast %get3A_103 : vector<16xf32> to vector<16xf32>
    %div3A_105 = arith.divf %get3A_104, %get3A_87 : vector<16xf32>
    %add3A_106 = arith.addf %add3A_84, %div3A_105 : vector<16xf32>
    %get3A_107 = arith.constant 64 : index
    %get3A_108 = tpu.vector_load %arg9[%get3A_107] {strides = array<i32>} : memref<128xf32, #tpu.memory_space<vmem>>, vector<16xf32>,
    %get3A_109 = vector.shape_cast %get3A_108 : vector<16xf32> to vector<16xf32>
    %mul3A_110 = arith.constant 9.900000e-01 : f32
    %mul3A_111 = vector.broadcast %mul3A_110 : f32 to vector<16xf32>
    %mul3A_112 = arith.mulf %mul3A_111, %get3A_109 : vector<16xf32>
    %get3A_113 = arith.constant 64 : index
    %get3A_114 = tpu.vector_load %arg10[%get3A_113] {strides = array<i32>} : memref<128xf32, #tpu.memory_space<vmem>>, vector<16xf32>,
    %get3A_115 = vector.shape_cast %get3A_114 : vector<16xf32> to vector<16xf32>
    %mul3A_116 = arith.constant 1.000000e+10 : f32
    %mul3A_117 = vector.broadcast %mul3A_116 : f32 to vector<16xf32>
    %mul3A_118 = arith.mulf %mul3A_117, %get3A_115 : vector<16xf32>
    %add3A_119 = arith.addf %mul3A_112, %mul3A_118 : vector<16xf32>
    %swap3A_120 = arith.constant 64 : index
    %swap3A_121 = tpu.vector_load %arg13[%swap3A_120] {strides = array<i32>} : memref<128xf32, #tpu.memory_space<vmem>>, vector<16xf32>,
    %swap3A_122 = vector.shape_cast %swap3A_121 : vector<16xf32> to vector<16xf32>
    %swap3A_123 = vector.shape_cast %add3A_119 : vector<16xf32> to vector<16xf32>
    tpu.vector_store %arg13[%swap3A_120], %swap3A_123 {strides = array<i32>} : memref<128xf32, #tpu.memory_space<vmem>>, vector<16xf32>,
    %get3A_124 = arith.constant 64 : index
    %get3A_125 = tpu.vector_load %arg11[%get3A_124] {strides = array<i32>} : memref<128xf32, #tpu.memory_space<vmem>>, vector<16xf32>,
    %get3A_126 = vector.shape_cast %get3A_125 : vector<16xf32> to vector<16xf32>
    %div3A_127 = arith.divf %get3A_126, %get3A_109 : vector<16xf32>
    %add3A_128 = arith.addf %add3A_106, %div3A_127 : vector<16xf32>
    %get3A_129 = arith.constant 80 : index
    %get3A_130 = tpu.vector_load %arg9[%get3A_129] {strides = array<i32>} : memref<128xf32, #tpu.memory_space<vmem>>, vector<16xf32>,
    %get3A_131 = vector.shape_cast %get3A_130 : vector<16xf32> to vector<16xf32>
    %mul3A_132 = arith.constant 9.900000e-01 : f32
    %mul3A_133 = vector.broadcast %mul3A_132 : f32 to vector<16xf32>
    %mul3A_134 = arith.mulf %mul3A_133, %get3A_131 : vector<16xf32>
    %get3A_135 = arith.constant 80 : index
    %get3A_136 = tpu.vector_load %arg10[%get3A_135] {strides = array<i32>} : memref<128xf32, #tpu.memory_space<vmem>>, vector<16xf32>,
    %get3A_137 = vector.shape_cast %get3A_136 : vector<16xf32> to vector<16xf32>
    %mul3A_138 = arith.constant 1.000000e+10 : f32
    %mul3A_139 = vector.broadcast %mul3A_138 : f32 to vector<16xf32>
    %mul3A_140 = arith.mulf %mul3A_139, %get3A_137 : vector<16xf32>
    %add3A_141 = arith.addf %mul3A_134, %mul3A_140 : vector<16xf32>
    %swap3A_142 = arith.constant 80 : index
    %swap3A_143 = tpu.vector_load %arg13[%swap3A_142] {strides = array<i32>} : memref<128xf32, #tpu.memory_space<vmem>>, vector<16xf32>,
    %swap3A_144 = vector.shape_cast %swap3A_143 : vector<16xf32> to vector<16xf32>
    %swap3A_145 = vector.shape_cast %add3A_141 : vector<16xf32> to vector<16xf32>
    tpu.vector_store %arg13[%swap3A_142], %swap3A_145 {strides = array<i32>} : memref<128xf32, #tpu.memory_space<vmem>>, vector<16xf32>,
    %get3A_146 = arith.constant 80 : index
    %get3A_147 = tpu.vector_load %arg11[%get3A_146] {strides = array<i32>} : memref<128xf32, #tpu.memory_space<vmem>>, vector<16xf32>,
    %get3A_148 = vector.shape_cast %get3A_147 : vector<16xf32> to vector<16xf32>
    %div3A_149 = arith.divf %get3A_148, %get3A_131 : vector<16xf32>
    %add3A_150 = arith.addf %add3A_128, %div3A_149 : vector<16xf32>
    %get3A_151 = arith.constant 96 : index
    %get3A_152 = tpu.vector_load %arg9[%get3A_151] {strides = array<i32>} : memref<128xf32, #tpu.memory_space<vmem>>, vector<16xf32>,
    %get3A_153 = vector.shape_cast %get3A_152 : vector<16xf32> to vector<16xf32>
    %mul3A_154 = arith.constant 9.900000e-01 : f32
    %mul3A_155 = vector.broadcast %mul3A_154 : f32 to vector<16xf32>
    %mul3A_156 = arith.mulf %mul3A_155, %get3A_153 : vector<16xf32>
    %get3A_157 = arith.constant 96 : index
    %get3A_158 = tpu.vector_load %arg10[%get3A_157] {strides = array<i32>} : memref<128xf32, #tpu.memory_space<vmem>>, vector<16xf32>,
    %get3A_159 = vector.shape_cast %get3A_158 : vector<16xf32> to vector<16xf32>
    %mul3A_160 = arith.constant 1.000000e+10 : f32
    %mul3A_161 = vector.broadcast %mul3A_160 : f32 to vector<16xf32>
    %mul3A_162 = arith.mulf %mul3A_161, %get3A_159 : vector<16xf32>
    %add3A_163 = arith.addf %mul3A_156, %mul3A_162 : vector<16xf32>
    %swap3A_164 = arith.constant 96 : index
    %swap3A_165 = tpu.vector_load %arg13[%swap3A_164] {strides = array<i32>} : memref<128xf32, #tpu.memory_space<vmem>>, vector<16xf32>,
    %swap3A_166 = vector.shape_cast %swap3A_165 : vector<16xf32> to vector<16xf32>
    %swap3A_167 = vector.shape_cast %add3A_163 : vector<16xf32> to vector<16xf32>
    tpu.vector_store %arg13[%swap3A_164], %swap3A_167 {strides = array<i32>} : memref<128xf32, #tpu.memory_space<vmem>>, vector<16xf32>,
    %get3A_168 = arith.constant 96 : index
    %get3A_169 = tpu.vector_load %arg11[%get3A_168] {strides = array<i32>} : memref<128xf32, #tpu.memory_space<vmem>>, vector<16xf32>,
    %get3A_170 = vector.shape_cast %get3A_169 : vector<16xf32> to vector<16xf32>
    %div3A_171 = arith.divf %get3A_170, %get3A_153 : vector<16xf32>
    %add3A_172 = arith.addf %add3A_150, %div3A_171 : vector<16xf32>
    %get3A_173 = arith.constant 112 : index
    %get3A_174 = tpu.vector_load %arg9[%get3A_173] {strides = array<i32>} : memref<128xf32, #tpu.memory_space<vmem>>, vector<16xf32>,
    %get3A_175 = vector.shape_cast %get3A_174 : vector<16xf32> to vector<16xf32>
    %mul3A_176 = arith.constant 9.900000e-01 : f32
    %mul3A_177 = vector.broadcast %mul3A_176 : f32 to vector<16xf32>
    %mul3A_178 = arith.mulf %mul3A_177, %get3A_175 : vector<16xf32>
    %get3A_179 = arith.constant 112 : index
    %get3A_180 = tpu.vector_load %arg10[%get3A_179] {strides = array<i32>} : memref<128xf32, #tpu.memory_space<vmem>>, vector<16xf32>,
    %get3A_181 = vector.shape_cast %get3A_180 : vector<16xf32> to vector<16xf32>
    %mul3A_182 = arith.constant 1.000000e+10 : f32
    %mul3A_183 = vector.broadcast %mul3A_182 : f32 to vector<16xf32>
    %mul3A_184 = arith.mulf %mul3A_183, %get3A_181 : vector<16xf32>
    %add3A_185 = arith.addf %mul3A_178, %mul3A_184 : vector<16xf32>
    %swap3A_186 = arith.constant 112 : index
    %swap3A_187 = tpu.vector_load %arg13[%swap3A_186] {strides = array<i32>} : memref<128xf32, #tpu.memory_space<vmem>>, vector<16xf32>,
    %swap3A_188 = vector.shape_cast %swap3A_187 : vector<16xf32> to vector<16xf32>
    %swap3A_189 = vector.shape_cast %add3A_185 : vector<16xf32> to vector<16xf32>
    tpu.vector_store %arg13[%swap3A_186], %swap3A_189 {strides = array<i32>} : memref<128xf32, #tpu.memory_space<vmem>>, vector<16xf32>,
    %get3A_190 = arith.constant 112 : index
    %get3A_191 = tpu.vector_load %arg11[%get3A_190] {strides = array<i32>} : memref<128xf32, #tpu.memory_space<vmem>>, vector<16xf32>,
    %get3A_192 = vector.shape_cast %get3A_191 : vector<16xf32> to vector<16xf32>
    %div3A_193 = arith.divf %get3A_192, %get3A_175 : vector<16xf32>
    %add3A_194 = arith.addf %add3A_172, %div3A_193 : vector<16xf32>
    %dma_wait3A_195 = arith.constant 8192 : i32
    %dma_wait3A_196 = tpu.memref_slice %arg5[%dma_wait3A_195] : memref<9216xf32, #tpu.memory_space<hbm>> -> memref<16xf32, #tpu.memory_space<hbm>>
    %dma_wait3A_197 = arith.constant 8192 : i32
    %dma_wait3A_198 = tpu.memref_slice %arg5[%dma_wait3A_197] : memref<9216xf32, #tpu.memory_space<hbm>> -> memref<16xf32, #tpu.memory_space<hbm>>
    tpu.wait_dma2 semaphore(%arg19 : memref<!tpu.dma_semaphore, #tpu.memory_space<semaphore_mem>>) src(%dma_wait3A_198 : memref<16xf32, #tpu.memory_space<hbm>>) dst(%arg12 : memref<16xf32, #tpu.memory_space<vmem>>)
    %eq3A = arith.constant 0 : i32
    %eq3A_199 = arith.cmpi eq, %add3A, %eq3A : i32
    %jit3A = arith.constant 6.24999997E-14 : f32
    %jit3A_200 = arith.constant 0.000000e+00 : f32
    %select_n3A = arith.select %eq3A_199, %jit3A, %jit3A_200 : f32
    %get3A_201 = arith.constant 0 : index
    %get3A_202 = tpu.vector_load %arg12[%get3A_201] {strides = array<i32>} : memref<16xf32, #tpu.memory_space<vmem>>, vector<16xf32>,
    %get3A_203 = vector.shape_cast %get3A_202 : vector<16xf32> to vector<16xf32>
    %mul3A_204 = vector.broadcast %select_n3A : f32 to vector<16xf32>
    %mul3A_205 = arith.mulf %get3A_203, %mul3A_204 : vector<16xf32>
    %add3A_206 = arith.addf %add3A_194, %mul3A_205 : vector<16xf32>
    %swap3A_207 = arith.constant 0 : index
    %swap3A_208 = tpu.vector_load %arg14[%swap3A_207] {strides = array<i32>} : memref<16xf32, #tpu.memory_space<vmem>>, vector<16xf32>,
    %swap3A_209 = vector.shape_cast %swap3A_208 : vector<16xf32> to vector<16xf32>
    %swap3A_210 = vector.shape_cast %add3A_206 : vector<16xf32> to vector<16xf32>
    tpu.vector_store %arg14[%swap3A_207], %swap3A_210 {strides = array<i32>} : memref<16xf32, #tpu.memory_space<vmem>>, vector<16xf32>,
    %dma_wait3A_211 = tpu.memref_slice %arg3[%mul3A_2] : memref<4096xi32, #tpu.memory_space<hbm>> -> memref<128xi32, #tpu.memory_space<hbm>>
    %dma_wait3A_212 = tpu.memref_slice %arg3[%mul3A_2] : memref<4096xi32, #tpu.memory_space<hbm>> -> memref<128xi32, #tpu.memory_space<hbm>>
    tpu.wait_dma2 semaphore(%arg15 : memref<!tpu.dma_semaphore, #tpu.memory_space<semaphore_mem>>) src(%dma_wait3A_212 : memref<128xi32, #tpu.memory_space<hbm>>) dst(%arg8 : memref<128xi32, #tpu.memory_space<vmem>>)
    %dma_start3A_213 = arith.constant 0 : i32
    %dma_start3A_214 = tpu.memref_slice %arg2[%dma_start3A_213] : memref<1000000xf32, #tpu.memory_space<hbm>> -> memref<1000000xf32, #tpu.memory_space<hbm>>
    tpu.enqueue_indirect_dma source(%arg13 : memref<128xf32, #tpu.memory_space<vmem>>) target(%dma_start3A_214 : memref<1000000xf32, #tpu.memory_space<hbm>>) offsets(%arg8 : memref<128xi32, #tpu.memory_space<vmem>>) semaphore(%arg15 : memref<!tpu.dma_semaphore, #tpu.memory_space<semaphore_mem>>)
    %mul3A_215 = arith.constant 16 : i32
    %mul3A_216 = arith.muli %add3A, %mul3A_215 : i32
    %dma_start3A_217 = tpu.memref_slice %arg6[%mul3A_216] : memref<512xf32, #tpu.memory_space<hbm>> -> memref<16xf32, #tpu.memory_space<hbm>>
    %dma_start3A_218 = tpu.memref_slice %arg6[%mul3A_216] : memref<512xf32, #tpu.memory_space<hbm>> -> memref<16xf32, #tpu.memory_space<hbm>>
    tpu.enqueue_dma source(%arg14 : memref<16xf32, #tpu.memory_space<vmem>>) target(%dma_start3A_218 : memref<16xf32, #tpu.memory_space<hbm>>) target_semaphore(%arg16 : memref<!tpu.dma_semaphore, #tpu.memory_space<semaphore_mem>>)
    %dma_wait3A_219 = arith.constant 0 : i32
    %dma_wait3A_220 = tpu.memref_slice %arg2[%dma_wait3A_219] : memref<1000000xf32, #tpu.memory_space<hbm>> -> memref<1000000xf32, #tpu.memory_space<hbm>>
    tpu.wait_indirect_dma semaphore(%arg15 : memref<!tpu.dma_semaphore, #tpu.memory_space<semaphore_mem>>) src(%arg13 : memref<128xf32, #tpu.memory_space<vmem>>) dst(%dma_wait3A_220 : memref<1000000xf32, #tpu.memory_space<hbm>>)
    %dma_wait3A_221 = tpu.memref_slice %arg6[%mul3A_216] : memref<512xf32, #tpu.memory_space<hbm>> -> memref<16xf32, #tpu.memory_space<hbm>>
    %dma_wait3A_222 = tpu.memref_slice %arg6[%mul3A_216] : memref<512xf32, #tpu.memory_space<hbm>> -> memref<16xf32, #tpu.memory_space<hbm>>
    tpu.wait_dma2 semaphore(%arg16 : memref<!tpu.dma_semaphore, #tpu.memory_space<semaphore_mem>>) src(%arg14 : memref<16xf32, #tpu.memory_space<vmem>>) dst(%dma_wait3A_222 : memref<16xf32, #tpu.memory_space<hbm>>)
    return
  }
}

module attributes {stable_mosaic.version = 14 : i64} {
  func.func @_dense_body(%arg0: i32, %arg1: memref<8192x128xf32, #tpu.memory_space<any>>, %arg2: memref<72x128xf32, #tpu.memory_space<any>>, %arg3: memref<4096x128xf32, #tpu.memory_space<vmem>>, %arg4: memref<4096x128xf32, #tpu.memory_space<vmem>>, %arg5: memref<72x128xf32, #tpu.memory_space<vmem>>, %arg6: memref<!tpu.dma_semaphore, #tpu.memory_space<semaphore_mem>>, %arg7: memref<!tpu.dma_semaphore, #tpu.memory_space<semaphore_mem>>, %arg8: memref<!tpu.dma_semaphore, #tpu.memory_space<semaphore_mem>>) attributes {dimension_semantics = [#tpu.dimension_semantics<parallel>], iteration_bounds = array<i64: 1>, scalar_prefetch = 0 : i64, scratch_operands = 6 : i64, tpu.core_type = #tpu.core_type<tc>, window_params = [{}, {}]} {
    %dma_start3A = arith.constant 0 : i32
    %dma_start3A_0 = arith.constant 0 : i32
    %dma_start3A_1 = tpu.memref_slice %arg1[%dma_start3A, %dma_start3A_0] : memref<8192x128xf32, #tpu.memory_space<any>> -> memref<4096x128xf32, #tpu.memory_space<any>>
    tpu.enqueue_dma source(%dma_start3A_1 : memref<4096x128xf32, #tpu.memory_space<any>>) target(%arg3 : memref<4096x128xf32, #tpu.memory_space<vmem>>) target_semaphore(%arg6 : memref<!tpu.dma_semaphore, #tpu.memory_space<semaphore_mem>>)
    %dma_start3A_2 = arith.constant 4096 : i32
    %dma_start3A_3 = arith.constant 0 : i32
    %dma_start3A_4 = tpu.memref_slice %arg1[%dma_start3A_2, %dma_start3A_3] : memref<8192x128xf32, #tpu.memory_space<any>> -> memref<4096x128xf32, #tpu.memory_space<any>>
    tpu.enqueue_dma source(%dma_start3A_4 : memref<4096x128xf32, #tpu.memory_space<any>>) target(%arg4 : memref<4096x128xf32, #tpu.memory_space<vmem>>) target_semaphore(%arg7 : memref<!tpu.dma_semaphore, #tpu.memory_space<semaphore_mem>>)
    %dma_wait3A = arith.constant 0 : i32
    %dma_wait3A_5 = arith.constant 0 : i32
    %dma_wait3A_6 = tpu.memref_slice %arg1[%dma_wait3A, %dma_wait3A_5] : memref<8192x128xf32, #tpu.memory_space<any>> -> memref<4096x128xf32, #tpu.memory_space<any>>
    tpu.wait_dma2 semaphore(%arg6 : memref<!tpu.dma_semaphore, #tpu.memory_space<semaphore_mem>>) src(%dma_wait3A_6 : memref<4096x128xf32, #tpu.memory_space<any>>) dst(%arg3 : memref<4096x128xf32, #tpu.memory_space<vmem>>)
    %get3A = arith.constant 0 : index
    %get3A_7 = arith.constant 0 : index
    %get3A_8 = vector.load %arg3[%get3A, %get3A_7] : memref<4096x128xf32, #tpu.memory_space<vmem>>, vector<4096x128xf32>
    %mul3A = arith.mulf %get3A_8, %get3A_8 : vector<4096x128xf32>
    %reduce_sum3A = arith.constant dense<0.000000e+00> : vector<4096xf32>
    %reduce_sum3A_9 = vector.multi_reduction <add>, %mul3A, %reduce_sum3A [1] : vector<4096x128xf32> to vector<4096xf32>
    %broadcast_in_dim3A = vector.shape_cast %reduce_sum3A_9 : vector<4096xf32> to vector<4096x1xf32>
    %sqrt3A = math.sqrt %broadcast_in_dim3A : vector<4096x1xf32>
    %max3A = arith.constant 9.99999996E-13 : f32
    %max3A_10 = vector.broadcast %max3A : f32 to vector<4096x1xf32>
    %max3A_11 = arith.maximumf %sqrt3A, %max3A_10 : vector<4096x1xf32>
    %div3A = vector.broadcast %max3A_11 : vector<4096x1xf32> to vector<4096x128xf32>
    %div3A_12 = arith.divf %get3A_8, %div3A : vector<4096x128xf32>
    %dma_wait3A_13 = arith.constant 4096 : i32
    %dma_wait3A_14 = arith.constant 0 : i32
    %dma_wait3A_15 = tpu.memref_slice %arg1[%dma_wait3A_13, %dma_wait3A_14] : memref<8192x128xf32, #tpu.memory_space<any>> -> memref<4096x128xf32, #tpu.memory_space<any>>
    tpu.wait_dma2 semaphore(%arg7 : memref<!tpu.dma_semaphore, #tpu.memory_space<semaphore_mem>>) src(%dma_wait3A_15 : memref<4096x128xf32, #tpu.memory_space<any>>) dst(%arg4 : memref<4096x128xf32, #tpu.memory_space<vmem>>)
    %get3A_16 = arith.constant 0 : index
    %get3A_17 = arith.constant 0 : index
    %get3A_18 = vector.load %arg4[%get3A_16, %get3A_17] : memref<4096x128xf32, #tpu.memory_space<vmem>>, vector<4096x128xf32>
    %mul3A_19 = arith.mulf %get3A_18, %get3A_18 : vector<4096x128xf32>
    %reduce_sum3A_20 = arith.constant dense<0.000000e+00> : vector<4096xf32>
    %reduce_sum3A_21 = vector.multi_reduction <add>, %mul3A_19, %reduce_sum3A_20 [1] : vector<4096x128xf32> to vector<4096xf32>
    %broadcast_in_dim3A_22 = vector.shape_cast %reduce_sum3A_21 : vector<4096xf32> to vector<4096x1xf32>
    %sqrt3A_23 = math.sqrt %broadcast_in_dim3A_22 : vector<4096x1xf32>
    %max3A_24 = arith.constant 9.99999996E-13 : f32
    %max3A_25 = vector.broadcast %max3A_24 : f32 to vector<4096x1xf32>
    %max3A_26 = arith.maximumf %sqrt3A_23, %max3A_25 : vector<4096x1xf32>
    %div3A_27 = vector.broadcast %max3A_26 : vector<4096x1xf32> to vector<4096x128xf32>
    %div3A_28 = arith.divf %get3A_18, %div3A_27 : vector<4096x128xf32>
    %roll3A = arith.constant 4095 : i32
    %roll3A_29 = tpu.dynamic_rotate %div3A_28 by %roll3A dim 0 : vector<4096x128xf32>, i32 -> vector<4096x128xf32>
    %roll3A_30 = arith.constant 4095 : i32
    %roll3A_31 = tpu.dynamic_rotate %div3A_12 by %roll3A_30 dim 0 : vector<4096x128xf32>, i32 -> vector<4096x128xf32>
    %sub3A = arith.subf %div3A_12, %div3A_28 : vector<4096x128xf32>
    %add3A = arith.constant 9.99999997E-7 : f32
    %add3A_32 = vector.broadcast %add3A : f32 to vector<4096x128xf32>
    %add3A_33 = arith.addf %sub3A, %add3A_32 : vector<4096x128xf32>
    %integer_pow3A = arith.mulf %add3A_33, %add3A_33 : vector<4096x128xf32>
    %reduce_sum3A_34 = arith.constant dense<0.000000e+00> : vector<4096xf32>
    %reduce_sum3A_35 = vector.multi_reduction <add>, %integer_pow3A, %reduce_sum3A_34 [1] : vector<4096x128xf32> to vector<4096xf32>
    %broadcast_in_dim3A_36 = vector.shape_cast %reduce_sum3A_35 : vector<4096xf32> to vector<4096x1xf32>
    %sub3A_37 = arith.subf %div3A_28, %div3A_12 : vector<4096x128xf32>
    %add3A_38 = arith.constant 9.99999997E-7 : f32
    %add3A_39 = vector.broadcast %add3A_38 : f32 to vector<4096x128xf32>
    %add3A_40 = arith.addf %sub3A_37, %add3A_39 : vector<4096x128xf32>
    %integer_pow3A_41 = arith.mulf %add3A_40, %add3A_40 : vector<4096x128xf32>
    %reduce_sum3A_42 = arith.constant dense<0.000000e+00> : vector<4096xf32>
    %reduce_sum3A_43 = vector.multi_reduction <add>, %integer_pow3A_41, %reduce_sum3A_42 [1] : vector<4096x128xf32> to vector<4096xf32>
    %broadcast_in_dim3A_44 = vector.shape_cast %reduce_sum3A_43 : vector<4096xf32> to vector<4096x1xf32>
    %sub3A_45 = arith.subf %div3A_12, %roll3A_29 : vector<4096x128xf32>
    %add3A_46 = arith.constant 9.99999997E-7 : f32
    %add3A_47 = vector.broadcast %add3A_46 : f32 to vector<4096x128xf32>
    %add3A_48 = arith.addf %sub3A_45, %add3A_47 : vector<4096x128xf32>
    %integer_pow3A_49 = arith.mulf %add3A_48, %add3A_48 : vector<4096x128xf32>
    %reduce_sum3A_50 = arith.constant dense<0.000000e+00> : vector<4096xf32>
    %reduce_sum3A_51 = vector.multi_reduction <add>, %integer_pow3A_49, %reduce_sum3A_50 [1] : vector<4096x128xf32> to vector<4096xf32>
    %broadcast_in_dim3A_52 = vector.shape_cast %reduce_sum3A_51 : vector<4096xf32> to vector<4096x1xf32>
    %sub3A_53 = arith.subf %div3A_28, %roll3A_31 : vector<4096x128xf32>
    %add3A_54 = arith.constant 9.99999997E-7 : f32
    %add3A_55 = vector.broadcast %add3A_54 : f32 to vector<4096x128xf32>
    %add3A_56 = arith.addf %sub3A_53, %add3A_55 : vector<4096x128xf32>
    %integer_pow3A_57 = arith.mulf %add3A_56, %add3A_56 : vector<4096x128xf32>
    %reduce_sum3A_58 = arith.constant dense<0.000000e+00> : vector<4096xf32>
    %reduce_sum3A_59 = vector.multi_reduction <add>, %integer_pow3A_57, %reduce_sum3A_58 [1] : vector<4096x128xf32> to vector<4096xf32>
    %broadcast_in_dim3A_60 = vector.shape_cast %reduce_sum3A_59 : vector<4096xf32> to vector<4096x1xf32>
    %mul3A_61 = arith.constant -2.000000e+00 : f32
    %mul3A_62 = vector.broadcast %mul3A_61 : f32 to vector<4096x1xf32>
    %mul3A_63 = arith.mulf %mul3A_62, %broadcast_in_dim3A_36 : vector<4096x1xf32>
    %exp3A = math.exp %mul3A_63 : vector<4096x1xf32>
    %mul3A_64 = arith.constant -2.000000e+00 : f32
    %mul3A_65 = vector.broadcast %mul3A_64 : f32 to vector<4096x1xf32>
    %mul3A_66 = arith.mulf %mul3A_65, %broadcast_in_dim3A_44 : vector<4096x1xf32>
    %exp3A_67 = math.exp %mul3A_66 : vector<4096x1xf32>
    %mul3A_68 = arith.constant -2.000000e+00 : f32
    %mul3A_69 = vector.broadcast %mul3A_68 : f32 to vector<4096x1xf32>
    %mul3A_70 = arith.mulf %mul3A_69, %broadcast_in_dim3A_52 : vector<4096x1xf32>
    %exp3A_71 = math.exp %mul3A_70 : vector<4096x1xf32>
    %mul3A_72 = arith.constant -2.000000e+00 : f32
    %mul3A_73 = vector.broadcast %mul3A_72 : f32 to vector<4096x1xf32>
    %mul3A_74 = arith.mulf %mul3A_73, %broadcast_in_dim3A_60 : vector<4096x1xf32>
    %exp3A_75 = math.exp %mul3A_74 : vector<4096x1xf32>
    %add3A_76 = arith.addf %exp3A, %exp3A_67 : vector<4096x1xf32>
    %mul3A_77 = arith.constant 2.500000e-01 : f32
    %mul3A_78 = vector.broadcast %mul3A_77 : f32 to vector<4096x1xf32>
    %mul3A_79 = arith.mulf %mul3A_78, %add3A_76 : vector<4096x1xf32>
    %add3A_80 = arith.addf %exp3A_71, %exp3A_75 : vector<4096x1xf32>
    %mul3A_81 = arith.constant 2.500000e-01 : f32
    %mul3A_82 = vector.broadcast %mul3A_81 : f32 to vector<4096x1xf32>
    %mul3A_83 = arith.mulf %mul3A_82, %add3A_80 : vector<4096x1xf32>
    %add3A_84 = arith.addf %mul3A_79, %mul3A_83 : vector<4096x1xf32>
    %add3A_85 = arith.addf %exp3A_71, %exp3A_75 : vector<4096x1xf32>
    %add3A_86 = arith.addf %broadcast_in_dim3A_36, %broadcast_in_dim3A_44 : vector<4096x1xf32>
    %reduce_sum3A_87 = vector.shape_cast %add3A_86 : vector<4096x1xf32> to vector<1x4096x1xf32>
    %reduce_sum3A_88 = arith.constant dense<0.000000e+00> : vector<1xf32>
    %reduce_sum3A_89 = vector.multi_reduction <add>, %reduce_sum3A_87, %reduce_sum3A_88 [1, 2] : vector<1x4096x1xf32> to vector<1xf32>
    %reduce_sum3A_90 = vector.shape_cast %reduce_sum3A_89 : vector<1xf32> to vector<1x1x1xf32>
    %reduce_sum3A_91 = vector.extract %reduce_sum3A_90[0, 0, 0] : f32 from vector<1x1x1xf32>
    %mul3A_92 = arith.constant 2.000000e+00 : f32
    %mul3A_93 = arith.mulf %mul3A_92, %reduce_sum3A_91 : f32
    %reshape3A = vector.shape_cast %add3A_84 : vector<4096x1xf32> to vector<32x128xf32>
    %swap3A = arith.constant 0 : index
    %swap3A_94 = arith.constant 0 : index
    %swap3A_95 = vector.load %arg5[%swap3A, %swap3A_94] : memref<72x128xf32, #tpu.memory_space<vmem>>, vector<32x128xf32>
    tpu.vector_store %arg5[%swap3A, %swap3A_94], %reshape3A {strides = array<i32>} : memref<72x128xf32, #tpu.memory_space<vmem>>, vector<32x128xf32>,
    %reshape3A_96 = vector.shape_cast %add3A_85 : vector<4096x1xf32> to vector<32x128xf32>
    %swap3A_97 = arith.constant 32 : index
    %swap3A_98 = arith.constant 0 : index
    %swap3A_99 = vector.load %arg5[%swap3A_97, %swap3A_98] : memref<72x128xf32, #tpu.memory_space<vmem>>, vector<32x128xf32>
    tpu.vector_store %arg5[%swap3A_97, %swap3A_98], %reshape3A_96 {strides = array<i32>} : memref<72x128xf32, #tpu.memory_space<vmem>>, vector<32x128xf32>,
    %broadcast_in_dim3A_100 = vector.broadcast %mul3A_93 : f32 to vector<8x128xf32>
    %swap3A_101 = arith.constant 64 : index
    %swap3A_102 = arith.constant 0 : index
    %swap3A_103 = vector.load %arg5[%swap3A_101, %swap3A_102] : memref<72x128xf32, #tpu.memory_space<vmem>>, vector<8x128xf32>
    tpu.vector_store %arg5[%swap3A_101, %swap3A_102], %broadcast_in_dim3A_100 {strides = array<i32>} : memref<72x128xf32, #tpu.memory_space<vmem>>, vector<8x128xf32>,
    tpu.enqueue_dma source(%arg5 : memref<72x128xf32, #tpu.memory_space<vmem>>) target(%arg2 : memref<72x128xf32, #tpu.memory_space<any>>) target_semaphore(%arg8 : memref<!tpu.dma_semaphore, #tpu.memory_space<semaphore_mem>>)
    tpu.wait_dma2 semaphore(%arg8 : memref<!tpu.dma_semaphore, #tpu.memory_space<semaphore_mem>>) src(%arg5 : memref<72x128xf32, #tpu.memory_space<vmem>>) dst(%arg2 : memref<72x128xf32, #tpu.memory_space<any>>)
    return
  }
}

</mosaic_0001>

<sc_bundles>
// kernel: kernel.5.cloned.1.call-start
scs
__scs_entry_jumppad:
0x0: {  	(pc) =	sbr.rel $0x88, $3  }
0x1: {  	(tag) =	ssettag $0x0;
	lr =	simm.s32 $0x1  }
0x2: {  	[smem:$0x3F9E] =	sst lr;
	_ =	strace $0xD0000000  }
0x3: {  	_ = 	snop  }
0x4: {  	_ = 	snop  }
0x5: {  	_ = 	snop  }
0x6: {  	_ = 	snop  }
0x7: {  	_ = 	snop  }
__scs_overlays_trampoline_lowered:
0x8: {  	[smem:$0x3FAD] =	sst s0  }
0x9: {  	[smem:$0x3FAE] =	sst s1  }
0xa: {  	[smem:$0x3FAF] =	sst s2  }
0xb: {  	[smem:$0x3FB0] =	sst s3  }
0xc: {  	[smem:$0x3FB1] =	sst s4  }
0xd: {  	[smem:$0x3FB2] =	sst s5  }
0xe: {  	[smem:$0x3FB3] =	sst s6  }
0xf: {  	[smem:$0x3FB4] =	sst s7  }
0x10: {  	[smem:$0x3FB5] =	sst s8  }
0x11: {  	[smem:$0x3FB6] =	sst s9;
	s0 =	simm.s32 @!p0 $0x0  }
0x12: {  	s1 =	sld [smem:$0x3F9C];
	s0 =	simm.s32 @p0 $0x1  }
0x13: {  	[smem:$0x3FB7] =	sst s0;
	s0 =	simm.s32 @!p1 $0x0  }
0x14: {  	s2 =	sld [smem:$0x3F9B];
	s0 =	simm.s32 @p1 $0x1  }
0x15: {  	[smem:$0x3FB8] =	sst s0;
	s0 =	simm.s32 @!p2 $0x0  }
0x16: {  	s3 =	sld [smem:$0x3FDB];
	s0 =	simm.s32 @p2 $0x1  }
0x17: {  	s4 =	simm.s32 $0x1BF5;
	[smem:$0x3FBA] =	sst s0  }
0x18: {  	s0 =	sld [smem:$0x3F9D];
	_ =	swait.ge [sflag:s4], $0x0  }
0x19: {  	s7 =	sld [smem:$0x3F9E]  }
0x1a: {  	s8 =	sadd.s32 $0xFFFFE003, lr  }
0x1b: {  	s9 =	sadd.s32 $0xFFFFFEF7, lr;
	s5 =	simm.s32 $0xFFFFFFFF;
	p2 =	slt.u32 s8, $0xFFFFF086  }
0x1c: {  	p1 =	slt.u32 s9, $0xF7A;
	s5 =	simm.s32 @!p2 $0x0  }
0x1d: {  	s5 =	simm.s32 @p1 $0x1;
	p0 =	seq.s32 s7, s2  }
0x1e: {  	s7 =	smul.u32 @!p0 $0xF7A, s2;
	p2 =	seq.s32 @!p0 s5, $0x0  }
0x1f: {  	s9 =	smul.u32 $0xF7A, s1;
	s8 =	simm.s32 @!p0 $0x1BF5;
	p2 =	por !p2, p0  }
0x20: {  	[sflag:s8] =	ssyncset.s32 @!p0 $0xFFFFF086;
	s6 =	sadd.s32 @!p0 s3, s7;
	s7 =	simm.s32 @!p0 $0x108  }
0x21: {  	s3 =	sadd.s32 s3, s9;
	s6 =	sadd.s32 @!p0 $0x88, s6;
	s7 =	simm.s32 @p2 $0x1082  }
0x22: {  	[simem:s7], [sflag:s8] =	dma.local @!p0 [hbm:s6], $0xF7A  }
0x23: {  	s9 =	sor.u32 $0xD0000000, s2;
	s6 =	simm.s32 $0x108;
	_ =	swait.ge @!p0 [sflag:s8], $0x0  }
0x24: {  	s3 =	sadd.s32 $0x88, s3;
	s6 =	simm.s32 @!p1 $0x1082;
	[sflag:s4] =	ssyncset.s32 $0xFFFFF086  }
0x25: {  	[simem:s6], [sflag:s4] =	dma.local [hbm:s3], $0xF7A  }
0x26: {  	[smem:$0x3F9E] =	sst s1;
	(tag) =	ssettag s2;
	_ =	strace s9  }
0x27: {  	s1 =	sld [smem:$0x3FAE]  }
0x28: {  	s2 =	sld [smem:$0x3FAF]  }
0x29: {  	s4 =	sld [smem:$0x3FB1]  }
0x2a: {  	p0 =	seq.s32 s5, $0x0;
	s5 =	sld [smem:$0x3FB2]  }
0x2b: {  	s6 =	sld [smem:$0x3FB3]  }
0x2c: {  	s7 =	sld [smem:$0x3FB4]  }
0x2d: {  	s3 =	simm.s32 $0x108;
	s8 =	sld [smem:$0x3FB5]  }
0x2e: {  	s3 =	simm.s32 @!p0 $0x1082;
	s9 =	sld [smem:$0x3FB6]  }
0x2f: {  	lr =	sadd.s32 s0, s3;
	s0 =	sld [smem:$0x3FAD]  }
0x30: {  	s3 =	sld [smem:$0x3FB0]  }
0x31: {  	[smem:$0x3FB9] =	sst s10  }
0x32: {  	s10 =	sld [smem:$0x3FB7];
	_ =	sdelay $0x3  }
0x33: {  	p0 =	seq.s32 s10, $0x1;
	s10 =	sld [smem:$0x3FB9];
	_ =	sdelay $0x3  }
0x34: {  	[smem:$0x3FB9] =	sst s10  }
0x35: {  	s10 =	sld [smem:$0x3FB8];
	_ =	sdelay $0x3  }
0x36: {  	p1 =	seq.s32 s10, $0x1;
	s10 =	sld [smem:$0x3FB9];
	_ =	sdelay $0x3  }
0x37: {  	[smem:$0x3FB9] =	sst s10  }
0x38: {  	s10 =	sld [smem:$0x3FBA]  }
0x39: {  	_ = 	snop;
	(pc) =	sbr.ind lr, $3  }
0x3a: {  	_ = 	snop  }
0x3b: {  	_ = 	snop  }
0x3c: {  	p2 =	seq.s32 s10, $0x1;
	s10 =	sld [smem:$0x3FB9]  }
0x3d: {  	_ =	shalt  }
0x3e: {  	_ =	shalt  }
0x3f: {  	_ =	shalt  }
0x40: {  	_ =	shalt  }
0x41: {  	_ =	shalt  }
0x42: {  	_ =	shalt  }
0x43: {  	_ =	shalt  }
0x44: {  	_ =	shalt  }
0x45: {  	_ =	shalt  }
0x46: {  	_ =	shalt  }
0x47: {  	_ =	shalt  }
0x48: {  	_ =	shalt  }
0x49: {  	_ =	shalt  }
0x4a: {  	_ =	shalt  }
0x4b: {  	_ =	shalt  }
0x4c: {  	_ =	shalt  }
0x4d: {  	_ =	shalt  }
0x4e: {  	_ =	shalt  }
0x4f: {  	_ =	shalt  }
0x50: {  	_ =	shalt  }
0x51: {  	_ =	shalt  }
0x52: {  	_ =	shalt  }
0x53: {  	_ =	shalt  }
0x54: {  	_ =	shalt  }
0x55: {  	_ =	shalt  }
0x56: {  	_ =	shalt  }
0x57: {  	_ =	shalt  }
0x58: {  	_ =	shalt  }
0x59: {  	_ =	shalt  }
0x5a: {  	_ =	shalt  }
0x5b: {  	_ =	shalt  }
0x5c: {  	_ =	shalt  }
0x5d: {  	_ =	shalt  }
0x5e: {  	_ =	shalt  }
0x5f: {  	_ =	shalt  }
0x60: {  	_ =	shalt  }
0x61: {  	_ =	shalt  }
0x62: {  	_ =	shalt  }
0x63: {  	_ =	shalt  }
0x64: {  	_ =	shalt  }
0x65: {  	_ =	shalt  }
0x66: {  	_ =	shalt  }
0x67: {  	_ =	shalt  }
0x68: {  	_ =	shalt  }
0x69: {  	_ =	shalt  }
0x6a: {  	_ =	shalt  }
0x6b: {  	_ =	shalt  }
0x6c: {  	_ =	shalt  }
0x6d: {  	_ =	shalt  }
0x6e: {  	_ =	shalt  }
0x6f: {  	_ =	shalt  }
0x70: {  	_ =	shalt  }
0x71: {  	_ =	shalt  }
0x72: {  	_ =	shalt  }
0x73: {  	_ =	shalt  }
0x74: {  	_ =	shalt  }
0x75: {  	_ =	shalt  }
0x76: {  	_ =	shalt  }
0x77: {  	_ =	shalt  }
0x78: {  	_ =	shalt  }
0x79: {  	_ =	shalt  }
0x7a: {  	_ =	shalt  }
0x7b: {  	_ =	shalt  }
0x7c: {  	_ =	shalt  }
0x7d: {  	_ =	shalt  }
0x7e: {  	_ =	shalt  }
0x7f: {  	_ =	shalt  }
0x80: {  	_ =	shalt  }
0x81: {  	_ =	shalt  }
0x82: {  	_ =	shalt  }
0x83: {  	_ =	shalt  }
0x84: {  	_ =	shalt  }
0x85: {  	_ =	shalt  }
0x86: {  	_ =	shalt  }
0x87: {  	_ =	shalt  }
.Lfunc_end0:
.L_simem_size_0:
called_computation_lowered:
.L_overlay_start_0:
0x88: {  	s2 =	sld [smem:$0x3FD9]  }
0x89: {  	s3 =	sld [smem:$0x3FFE];
	_ =	sdelay $0x1  }
0x8a: {  	s1 =	srdreg.scid  }
0x8b: {  	s0 =	sand.u32 $0x1, s1  }
0x8c: {  	s14 =	sshll.u32 s0, $0xA;
	s2 =	sadd.s32 s3, s2  }
0x8d: {  	s2 =	sadd.s32 s2, s14  }
0x8e: {  	[smem:$0x3FC5] =	sst s2  }
0x8f: {  	_ = 	snop  }
0x90: {  	s2 =	sld [smem:$0x3FD0];
	_ =	sdelay $0x1  }
0x91: {  	s15 =	sld [smem:$0x3FC8]  }
0x92: {  	s5 =	simm.s32 $0xA;
	s6 =	simm.s32 $0x10;
	s4 =	sld [smem:$0x3FC7]  }
0x93: {  	[smem:s6], [sflag:s5] =	dma.local [hbm:s2], $0x1  }
0x94: {  	_ =	swait.eq [sflag:s5], $0x1  }
0x95: {  	[sflag:s5] =	ssyncset.done $0x0  }
0x96: {  	[sflag:s5] =	ssyncadd.s32 $0xFFFFFFFF  }
0x97: {  	s16 =	sld [smem:$0x11];
	(tm) =	ssettm $0x1  }
0x98: {  	s17 =	sld [smem:$0x3FFB];
	_ =	sdelay $0x3  }
0x99: {  	_ =	strace s17  }
0x9a: {  	s5 =	sld [smem:$0x3FFC];
	_ =	sdelay $0x3  }
0x9b: {  	_ =	strace s5  }
0x9c: {  	s5 =	sld [smem:$0x3FFD];
	_ =	sdelay $0x3  }
0x9d: {  	_ =	strace s5  }
0x9e: {  	_ =	strace $0x8FFFFFFF  }
0x9f: {  	s18 =	sld [smem:$0x3FDB];
	_ =	sdelay $0x1  }
0xa0: {  	s19 =	simm.s32 $_scs_section_size  }
0xa1: {  	s7 =	simm.s32 $_size__tile_overlayer_lowered;
	s8 =	simm.s32 $_tile_overlayer_lowered  }
0xa2: {  	s22 =	simm.s32 $0x1BFF;
	s21 =	sshll.u32 s8, $0x1;
	s5 =	sadd.s32 s19, s18  }
0xa3: {  	s9 =	simm.s32 $0x0;
	s20 =	sshll.u32 s7, $0x1;
	s7 =	sadd.s32 s21, s5  }
0xa4: {  	[timem:s9], [sflag:s22] =	dma.local [hbm:s7], s20  }
0xa5: {  	_ =	swait.ge [sflag:s22], s20  }
0xa6: {  	s6 =	ssub.s32 $0x0, s20;
	[sflag:s22] =	ssyncset.done $0x0  }
0xa7: {  	[sflag:s22] =	ssyncadd.s32 s6;
	_ =	sdelay $0x1  }
0xa8: {  	s23 =	simm.s32 $0x1B8B  }
0xa9: {  	_ =	swait.ge [sflag:s23], $0x1  }
0xaa: {  	[sflag:s23] =	ssyncset.done $0x0  }
0xab: {  	s25 =	simm.s32 $0x1B8E;
	s24 =	sld [smem:$0x3FFE];
	[sflag:s23] =	ssyncadd.s32 $0xFFFFFFFF  }
0xac: {  	s26 =	simm.s32 $execute0_lowered;
	[smem:$0x3FD2] =	sst s25  }
0xad: {  	s7 =	sshll.u32 s26, $0x1;
	_ =	strace $0x80000046;
	[dreg:$0x1] =	wrdreg $0xFFFFFFFF  }
0xae: {  	s28 =	simm.s32 $_size_execute0_lowered;
	s5 =	sadd.s32 s5, s7;
	[dreg:$0x0] =	wrdreg $0x0  }
0xaf: {  	s7 =	sshll.u32 s28, $0x1;
	[dreg:$0x2] =	wrdreg s5  }
0xb0: {  	[dreg:$0x3] =	wrdreg s7  }
0xb1: {  	[dreg:$0x4] =	wrdreg $0xC0  }
0xb2: {  	_ =	task [dreg:s9], $0x5FFFF  }
0xb3: {  	[dreg:$0x1] =	wrdreg $0xFFFFFFFF  }
0xb4: {  	[dreg:$0x0] =	wrdreg $0x60  }
0xb5: {  	[dreg:$0x2] =	wrdreg s15  }
0xb6: {  	[dreg:$0x3] =	wrdreg s4  }
0xb7: {  	[dreg:$0x4] =	wrdreg s16  }
0xb8: {  	[dreg:$0x5] =	wrdreg s24  }
0xb9: {  	[dreg:$0x6] =	wrdreg $0x9  }
0xba: {  	_ =	task.clear_ibuf [dreg:s9], $0x7FFFF;
	_ =	strace $0x90000046  }
0xbb: {  	s29 =	simm.s32 $0x9;
	_ =	strace $0x80000048  }
0xbc: {  	_ =	swait.ge [sflag:s29], $0x1  }
0xbd: {  	[sflag:s29] =	ssyncadd.s32 $0xFFFFFFFF  }
0xbe: {  	_ =	strace $0x90000048  }
0xbf: {  	_ =	sfence  }
0xc0: {  	s30 =	sld [smem:$0x0];
	_ =	sdelay $0x2  }
0xc1: {  	s31 =	sshll.u32 s1, $0xD;
	s1 =	sshrl.u32 s1, $0x2  }
0xc2: {  	s3 =	sand.u32 $0x4000, s31;
	s1 =	sadd.s32 s1, s30  }
0xc3: {  	s0 =	sor.u32 s3, s0;
	s1 =	sshll.u32 s1, $0x11  }
0xc4: {  	s0 =	sor.u32 s1, s0  }
0xc5: {  	s0 =	sadd.s32 $0x8F2B, s0  }
0xc6: {  	[sflag:s0] =	ssyncadd.remote.s32 $0x1  }
0xc7: {  	_ =	sfence.sel $0xFFFF  }
0xc8: {  	[dreg:$0x0] =	wrdreg $0xFFFFFFFF;
	(pc) =	sbr.abs _section_cstart, $3  }
0xc9: {  	[dreg:$0x1] =	wrdreg $0xFFFFFFFF  }
0xca: {  	_ =	task.clear_ibuf [dreg:s9], $0x2FFFF;
	_ =	strace $0x9FFFFFFF  }
0xcb: {  	(tm) =	ssettm $0x7FFFFFFF  }
tec
execute0_lowered:
.L_overlay_start_1:
0x0: {  	(tag) =	ssettag $0x1  }
0x1: {  	s1 =	rddreg [dreg:$0x0]  }
0x2: {  	s4 =	rddreg [dreg:$0x1]  }
0x3: {  	s14 =	rddreg [dreg:$0x2]  }
0x4: {  	s2 =	srdreg.scid;
	s0 =	stileid.u32  }
0x5: {  	s15 =	rddreg [dreg:$0x3];
	s16 =	sand.u32 $0x1, s2;
	s5 =	sshll.u32 s0, $0x1  }
0x6: {  	s3 =	simm.s32 $0x0;
	s2 =	rddreg [dreg:$0x4];
	s5 =	sor.u32 s16, s5  }
0x7: {  	[smem:$0x7FF] =	sst s3;
	s17 =	sshll.u32 s5, $0x4  }
0x8: {  	_ =	strace $0x80000047;
	s12 =	smul.u32 $0xF42, s5;
	s4 =	sadd.s32 s4, s17  }
0x9: {  	[tilespmem:s3], [sflag:$0x1] =	stream.linear.gather [hbm4b:s4+s3], $0x80, $0x38;
	[tilespmem:$0x7C00] =	vst v63  }
0xa: {  	s6 =	simm.s32 $0x100;
	s5 =	sadd.s32 s1, s12  }
0xb: {  	[tilespmem:s6], [sflag:$0x3] =	stream.linear.gather [hbm4b:s5+s3], $0x7A10, $0x38;
	[tilespmem:$0x7C00] =	vst v63  }
0xc: {  	s9 =	simm.s32 $0x7B80;
	s8 =	simm.s32 $0x1;
	s7 =	sadd.s32 $0x1E840, s1  }
0xd: {  	[tilespmem:s9], [sflag:$0x2] =	stream.linear.gather [hbm4b:s7+s3], $0x40, $0x38;
	[tilespmem:$0x7C00] =	vst v63  }
0xe: {  	_ =	swait.ge [sflag:s8], $0x80  }
0xf: {  	[sflag:s8] =	ssyncset.done $0x0  }
0x10: {  	s10 =	simm.s32 $0x80;
	s11 =	simm.s32 $0x3;
	[sflag:s8] =	ssyncadd.s32 $0xFFFFFF80  }
0x11: {  	[tilespmem:s10], [sflag:$0x1] =	stream.indirect.gather [hbm4b:s1+s10], $0x1, s3, s10, $0xb8;
	[tilespmem:$0x7C00] =	vst v63  }
0x12: {  	_ =	swait.ge [sflag:s11], $0x7A10  }
0x13: {  	[sflag:s11] =	ssyncset.done $0x0  }
0x14: {  	s13 =	simm.s32 $0x2;
	s12 =	sadd.s32 s14, s12;
	[sflag:s11] =	ssyncadd.s32 $0xFFFF85F0  }
0x15: {  	[hbm4b:s12+s3] =	stream.linear.scatter [tilespmem:s6], [sflag:$0x3], $0x7A10, $0x38;
	[tilespmem:$0x7C00] =	vst v63  }
0x16: {  	_ =	swait.ge [sflag:s13], $0x40  }
0x17: {  	[sflag:s13] =	ssyncset.done $0x0  }
0x18: {  	s14 =	sadd.s32 $0x1E840, s14;
	[sflag:s13] =	ssyncadd.s32 $0xFFFFFFC0  }
0x19: {  	[hbm4b:s14+s3] =	stream.linear.scatter [tilespmem:s9], [sflag:$0x2], $0x40, $0x38;
	[tilespmem:$0x7C00] =	vst v63  }
0x1a: {  	_ =	swait.ge [sflag:s8], $0x80  }
0x1b: {  	s16 =	ssub.s32 $0x2, s16;
	s15 =	sadd.s32 s17, s15;
	[sflag:s8] =	ssyncset.done $0x0  }
0x1c: {  	s31 =	sshrl.u32 s16, $0x1;
	s15 =	sadd.s32 $0x1000, s15;
	[sflag:s8] =	ssyncadd.s32 $0xFFFFFF80  }
0x1d: {  	[hbm4b:s15+s3] =	stream.linear.scatter [tilespmem:s10], [sflag:$0x1], $0x80, $0x38;
	[tilespmem:$0x7C00] =	vst v63  }
0x1e: {  	s16 =	ssub.s32 s16, s31;
	_ =	swait.ge [sflag:s11], $0x7A10  }
0x1f: {  	s16 =	smax.u32 s16, $0x1;
	[sflag:s11] =	ssyncset.done $0x0  }
0x20: {  	p0 =	sne.s32 s16, $0x1;
	[sflag:s11] =	ssyncadd.s32 $0xFFFF85F0  }
.Ltmp0:
0x21: {  	_ =	swait.ge [sflag:s13], $0x40;
	(pc) =	sbr.rel @!p0 .LBB2_2-.Ltmp0, $4  }
0x22: {  	[sflag:s13] =	ssyncset.done $0x0  }
0x23: {  	[sflag:s13] =	ssyncadd.s32 $0xFFFFFFC0  }
0x24: {  	_ =	swait.ge [sflag:s8], $0x80  }
0x25: {  	s16 =	sadd.s32 $0xFFFFFFFF, s16;
	[sflag:s8] =	ssyncset.done $0x0  }
.LBB2_1:
0x26: {  	p0 =	sne.s32 s16, $0x1;
	s16 =	sadd.s32 $0xFFFFFFFF, s16;
	[sflag:s8] =	ssyncadd.s32 $0xFFFFFF80  }
0x27: {  	[tilespmem:s3], [sflag:$0x1] =	stream.linear.gather [hbm4b:s4+s3], $0x80, $0x38;
	[tilespmem:$0x7C00] =	vst v63  }
0x28: {  	_ = 	snop  }
0x29: {  	[tilespmem:s6], [sflag:$0x3] =	stream.linear.gather [hbm4b:s5+s3], $0x7A10, $0x38;
	[tilespmem:$0x7C00] =	vst v63  }
0x2a: {  	_ = 	snop  }
0x2b: {  	[tilespmem:s9], [sflag:$0x2] =	stream.linear.gather [hbm4b:s7+s3], $0x40, $0x38;
	[tilespmem:$0x7C00] =	vst v63  }
0x2c: {  	_ =	swait.ge [sflag:s8], $0x80  }
0x2d: {  	[sflag:s8] =	ssyncset.done $0x0  }
0x2e: {  	[sflag:s8] =	ssyncadd.s32 $0xFFFFFF80  }
0x2f: {  	[tilespmem:s10], [sflag:$0x1] =	stream.indirect.gather [hbm4b:s1+s10], $0x1, s3, s10, $0xb8;
	[tilespmem:$0x7C00] =	vst v63  }
0x30: {  	_ =	swait.ge [sflag:s11], $0x7A10  }
0x31: {  	[sflag:s11] =	ssyncset.done $0x0  }
0x32: {  	[sflag:s11] =	ssyncadd.s32 $0xFFFF85F0  }
0x33: {  	[hbm4b:s12+s3] =	stream.linear.scatter [tilespmem:s6], [sflag:$0x3], $0x7A10, $0x38;
	[tilespmem:$0x7C00] =	vst v63  }
0x34: {  	_ =	swait.ge [sflag:s13], $0x40  }
0x35: {  	[sflag:s13] =	ssyncset.done $0x0  }
0x36: {  	[sflag:s13] =	ssyncadd.s32 $0xFFFFFFC0  }
0x37: {  	[hbm4b:s14+s3] =	stream.linear.scatter [tilespmem:s9], [sflag:$0x2], $0x40, $0x38;
	[tilespmem:$0x7C00] =	vst v63  }
0x38: {  	_ =	swait.ge [sflag:s8], $0x80  }
0x39: {  	[sflag:s8] =	ssyncset.done $0x0  }
0x3a: {  	[sflag:s8] =	ssyncadd.s32 $0xFFFFFF80  }
0x3b: {  	[hbm4b:s15+s3] =	stream.linear.scatter [tilespmem:s10], [sflag:$0x1], $0x80, $0x38;
	[tilespmem:$0x7C00] =	vst v63  }
0x3c: {  	_ =	swait.ge [sflag:s11], $0x7A10  }
0x3d: {  	[sflag:s11] =	ssyncset.done $0x0  }
0x3e: {  	[sflag:s11] =	ssyncadd.s32 $0xFFFF85F0  }
.Ltmp1:
0x3f: {  	_ =	swait.ge [sflag:s13], $0x40;
	(pc) =	sbr.rel @p0 .LBB2_1-.Ltmp1, $4  }
0x40: {  	[sflag:s13] =	ssyncset.done $0x0  }
0x41: {  	[sflag:s13] =	ssyncadd.s32 $0xFFFFFFC0  }
0x42: {  	_ =	swait.ge [sflag:s8], $0x80  }
0x43: {  	[sflag:s8] =	ssyncset.done $0x0  }
.LBB2_2:
0x44: {  	[sflag:s8] =	ssyncadd.s32 $0xFFFFFF80  }
0x45: {  	_ =	sfence.sel $0x180000  }
0x46: {  	[bflag:$0x0] =	sbarrier.arrive $0xFFFF  }
0x47: {  	p0 =	sne.s32 s0, $0x0;
	_ =	strace $0x90000047  }
0x48: {  	s0 =	sadd.s32 @!p0 $0x100000, s2;
	[bflag:$0x2] =	sbarrier.arrive $0xFFFF  }
0x49: {  	[sflag:s0] =	ssyncadd.tile.s32 @!p0 $0x1;
	_ =	shalt  }
.Lfunc_end2:
_tile_overlayer_lowered:
.L_overlay_start_2:
0x4a: {  	(tag) =	ssettag $0x2  }
0x4b: {  	s0 =	rddreg [dreg:$0x0];
	s2 =	stileid.u32  }
0x4c: {  	s1 =	rddreg [dreg:$0x1];
	p0 =	sne.s32 s2, $0x0  }
0x4d: {  	s3 =	rddreg [dreg:$0x2];
	[bflag:$0x3] =	sbarrier.arrive $0xFFFF;
	s2 =	simm.s32 @!p0 $0x1C04  }
0x4e: {  	[timem:s3], [sflag:s2] =	dma.local @!p0 [hbm:s0], s1  }
0x4f: {  	s0 =	simm.s32 @!p0 $0x4  }
0x50: {  	_ =	swait.ge @!p0 [sflag:s0], s1  }
0x51: {  	s1 =	ssub.s32 @!p0 $0x0, s1;
	[sflag:s0] =	ssyncset.done @!p0 $0x0  }
0x52: {  	[sflag:s0] =	ssyncadd.s32 @!p0 s1  }
0x53: {  	[bflag:$0x3] =	sbarrier.arrive $0xFFFF  }
0x54: {  	_ =	shalt  }

// kernel: kernel.8.cloned.1.call-start
scs
__scs_entry_jumppad:
0x0: {  	(pc) =	sbr.rel $0x88, $3  }
0x1: {  	(tag) =	ssettag $0x0;
	lr =	simm.s32 $0x1  }
0x2: {  	[smem:$0x3F9E] =	sst lr;
	_ =	strace $0xD0000000  }
0x3: {  	_ = 	snop  }
0x4: {  	_ = 	snop  }
0x5: {  	_ = 	snop  }
0x6: {  	_ = 	snop  }
0x7: {  	_ = 	snop  }
__scs_overlays_trampoline_lowered:
0x8: {  	[smem:$0x3FAD] =	sst s0  }
0x9: {  	[smem:$0x3FAE] =	sst s1  }
0xa: {  	[smem:$0x3FAF] =	sst s2  }
0xb: {  	[smem:$0x3FB0] =	sst s3  }
0xc: {  	[smem:$0x3FB1] =	sst s4  }
0xd: {  	[smem:$0x3FB2] =	sst s5  }
0xe: {  	[smem:$0x3FB3] =	sst s6  }
0xf: {  	[smem:$0x3FB4] =	sst s7  }
0x10: {  	[smem:$0x3FB5] =	sst s8  }
0x11: {  	[smem:$0x3FB6] =	sst s9;
	s0 =	simm.s32 @!p0 $0x0  }
0x12: {  	s1 =	sld [smem:$0x3F9C];
	s0 =	simm.s32 @p0 $0x1  }
0x13: {  	[smem:$0x3FB7] =	sst s0;
	s0 =	simm.s32 @!p1 $0x0  }
0x14: {  	s2 =	sld [smem:$0x3F9B];
	s0 =	simm.s32 @p1 $0x1  }
0x15: {  	[smem:$0x3FB8] =	sst s0;
	s0 =	simm.s32 @!p2 $0x0  }
0x16: {  	s3 =	sld [smem:$0x3FDB];
	s0 =	simm.s32 @p2 $0x1  }
0x17: {  	s4 =	simm.s32 $0x1BF5;
	[smem:$0x3FBA] =	sst s0  }
0x18: {  	s0 =	sld [smem:$0x3F9D];
	_ =	swait.ge [sflag:s4], $0x0  }
0x19: {  	s7 =	sld [smem:$0x3F9E]  }
0x1a: {  	s8 =	sadd.s32 $0xFFFFE003, lr  }
0x1b: {  	s9 =	sadd.s32 $0xFFFFFEF7, lr;
	s5 =	simm.s32 $0xFFFFFFFF;
	p2 =	slt.u32 s8, $0xFFFFF086  }
0x1c: {  	p1 =	slt.u32 s9, $0xF7A;
	s5 =	simm.s32 @!p2 $0x0  }
0x1d: {  	s5 =	simm.s32 @p1 $0x1;
	p0 =	seq.s32 s7, s2  }
0x1e: {  	s7 =	smul.u32 @!p0 $0xF7A, s2;
	p2 =	seq.s32 @!p0 s5, $0x0  }
0x1f: {  	s9 =	smul.u32 $0xF7A, s1;
	s8 =	simm.s32 @!p0 $0x1BF5;
	p2 =	por !p2, p0  }
0x20: {  	[sflag:s8] =	ssyncset.s32 @!p0 $0xFFFFF086;
	s6 =	sadd.s32 @!p0 s3, s7;
	s7 =	simm.s32 @!p0 $0x108  }
0x21: {  	s3 =	sadd.s32 s3, s9;
	s6 =	sadd.s32 @!p0 $0x88, s6;
	s7 =	simm.s32 @p2 $0x1082  }
0x22: {  	[simem:s7], [sflag:s8] =	dma.local @!p0 [hbm:s6], $0xF7A  }
0x23: {  	s9 =	sor.u32 $0xD0000000, s2;
	s6 =	simm.s32 $0x108;
	_ =	swait.ge @!p0 [sflag:s8], $0x0  }
0x24: {  	s3 =	sadd.s32 $0x88, s3;
	s6 =	simm.s32 @!p1 $0x1082;
	[sflag:s4] =	ssyncset.s32 $0xFFFFF086  }
0x25: {  	[simem:s6], [sflag:s4] =	dma.local [hbm:s3], $0xF7A  }
0x26: {  	[smem:$0x3F9E] =	sst s1;
	(tag) =	ssettag s2;
	_ =	strace s9  }
0x27: {  	s1 =	sld [smem:$0x3FAE]  }
0x28: {  	s2 =	sld [smem:$0x3FAF]  }
0x29: {  	s4 =	sld [smem:$0x3FB1]  }
0x2a: {  	p0 =	seq.s32 s5, $0x0;
	s5 =	sld [smem:$0x3FB2]  }
0x2b: {  	s6 =	sld [smem:$0x3FB3]  }
0x2c: {  	s7 =	sld [smem:$0x3FB4]  }
0x2d: {  	s3 =	simm.s32 $0x108;
	s8 =	sld [smem:$0x3FB5]  }
0x2e: {  	s3 =	simm.s32 @!p0 $0x1082;
	s9 =	sld [smem:$0x3FB6]  }
0x2f: {  	lr =	sadd.s32 s0, s3;
	s0 =	sld [smem:$0x3FAD]  }
0x30: {  	s3 =	sld [smem:$0x3FB0]  }
0x31: {  	[smem:$0x3FB9] =	sst s10  }
0x32: {  	s10 =	sld [smem:$0x3FB7];
	_ =	sdelay $0x3  }
0x33: {  	p0 =	seq.s32 s10, $0x1;
	s10 =	sld [smem:$0x3FB9];
	_ =	sdelay $0x3  }
0x34: {  	[smem:$0x3FB9] =	sst s10  }
0x35: {  	s10 =	sld [smem:$0x3FB8];
	_ =	sdelay $0x3  }
0x36: {  	p1 =	seq.s32 s10, $0x1;
	s10 =	sld [smem:$0x3FB9];
	_ =	sdelay $0x3  }
0x37: {  	[smem:$0x3FB9] =	sst s10  }
0x38: {  	s10 =	sld [smem:$0x3FBA]  }
0x39: {  	_ = 	snop;
	(pc) =	sbr.ind lr, $3  }
0x3a: {  	_ = 	snop  }
0x3b: {  	_ = 	snop  }
0x3c: {  	p2 =	seq.s32 s10, $0x1;
	s10 =	sld [smem:$0x3FB9]  }
0x3d: {  	_ =	shalt  }
0x3e: {  	_ =	shalt  }
0x3f: {  	_ =	shalt  }
0x40: {  	_ =	shalt  }
0x41: {  	_ =	shalt  }
0x42: {  	_ =	shalt  }
0x43: {  	_ =	shalt  }
0x44: {  	_ =	shalt  }
0x45: {  	_ =	shalt  }
0x46: {  	_ =	shalt  }
0x47: {  	_ =	shalt  }
0x48: {  	_ =	shalt  }
0x49: {  	_ =	shalt  }
0x4a: {  	_ =	shalt  }
0x4b: {  	_ =	shalt  }
0x4c: {  	_ =	shalt  }
0x4d: {  	_ =	shalt  }
0x4e: {  	_ =	shalt  }
0x4f: {  	_ =	shalt  }
0x50: {  	_ =	shalt  }
0x51: {  	_ =	shalt  }
0x52: {  	_ =	shalt  }
0x53: {  	_ =	shalt  }
0x54: {  	_ =	shalt  }
0x55: {  	_ =	shalt  }
0x56: {  	_ =	shalt  }
0x57: {  	_ =	shalt  }
0x58: {  	_ =	shalt  }
0x59: {  	_ =	shalt  }
0x5a: {  	_ =	shalt  }
0x5b: {  	_ =	shalt  }
0x5c: {  	_ =	shalt  }
0x5d: {  	_ =	shalt  }
0x5e: {  	_ =	shalt  }
0x5f: {  	_ =	shalt  }
0x60: {  	_ =	shalt  }
0x61: {  	_ =	shalt  }
0x62: {  	_ =	shalt  }
0x63: {  	_ =	shalt  }
0x64: {  	_ =	shalt  }
0x65: {  	_ =	shalt  }
0x66: {  	_ =	shalt  }
0x67: {  	_ =	shalt  }
0x68: {  	_ =	shalt  }
0x69: {  	_ =	shalt  }
0x6a: {  	_ =	shalt  }
0x6b: {  	_ =	shalt  }
0x6c: {  	_ =	shalt  }
0x6d: {  	_ =	shalt  }
0x6e: {  	_ =	shalt  }
0x6f: {  	_ =	shalt  }
0x70: {  	_ =	shalt  }
0x71: {  	_ =	shalt  }
0x72: {  	_ =	shalt  }
0x73: {  	_ =	shalt  }
0x74: {  	_ =	shalt  }
0x75: {  	_ =	shalt  }
0x76: {  	_ =	shalt  }
0x77: {  	_ =	shalt  }
0x78: {  	_ =	shalt  }
0x79: {  	_ =	shalt  }
0x7a: {  	_ =	shalt  }
0x7b: {  	_ =	shalt  }
0x7c: {  	_ =	shalt  }
0x7d: {  	_ =	shalt  }
0x7e: {  	_ =	shalt  }
0x7f: {  	_ =	shalt  }
0x80: {  	_ =	shalt  }
0x81: {  	_ =	shalt  }
0x82: {  	_ =	shalt  }
0x83: {  	_ =	shalt  }
0x84: {  	_ =	shalt  }
0x85: {  	_ =	shalt  }
0x86: {  	_ =	shalt  }
0x87: {  	_ =	shalt  }
.Lfunc_end0:
.L_simem_size_0:
called_computation.1_lowered:
.L_overlay_start_0:
0x88: {  	s2 =	sld [smem:$0x3FD9]  }
0x89: {  	s3 =	sld [smem:$0x3FFE];
	_ =	sdelay $0x1  }
0x8a: {  	s1 =	srdreg.scid  }
0x8b: {  	s0 =	sand.u32 $0x1, s1  }
0x8c: {  	s14 =	sshll.u32 s0, $0xA;
	s2 =	sadd.s32 s3, s2  }
0x8d: {  	s2 =	sadd.s32 s2, s14  }
0x8e: {  	[smem:$0x3FC5] =	sst s2  }
0x8f: {  	_ = 	snop  }
0x90: {  	s2 =	sld [smem:$0x3FD0];
	_ =	sdelay $0x2  }
0x91: {  	s4 =	simm.s32 $0xA;
	s5 =	simm.s32 $0x10;
	s15 =	sld [smem:$0x3FC7]  }
0x92: {  	[smem:s5], [sflag:s4] =	dma.local [hbm:s2], $0x1  }
0x93: {  	_ =	swait.eq [sflag:s4], $0x1  }
0x94: {  	[sflag:s4] =	ssyncset.done $0x0  }
0x95: {  	[sflag:s4] =	ssyncadd.s32 $0xFFFFFFFF  }
0x96: {  	s16 =	sld [smem:$0x11];
	(tm) =	ssettm $0x1  }
0x97: {  	s17 =	sld [smem:$0x3FFB];
	_ =	sdelay $0x3  }
0x98: {  	_ =	strace s17  }
0x99: {  	s4 =	sld [smem:$0x3FFC];
	_ =	sdelay $0x3  }
0x9a: {  	_ =	strace s4  }
0x9b: {  	s4 =	sld [smem:$0x3FFD];
	_ =	sdelay $0x3  }
0x9c: {  	_ =	strace s4  }
0x9d: {  	_ =	strace $0x8FFFFFFF  }
0x9e: {  	s18 =	sld [smem:$0x3FDB];
	_ =	sdelay $0x1  }
0x9f: {  	s19 =	simm.s32 $_scs_section_size  }
0xa0: {  	s6 =	simm.s32 $_size__tile_overlayer_lowered;
	s7 =	simm.s32 $_tile_overlayer_lowered  }
0xa1: {  	s22 =	simm.s32 $0x1BFF;
	s21 =	sshll.u32 s7, $0x1;
	s4 =	sadd.s32 s19, s18  }
0xa2: {  	s8 =	simm.s32 $0x0;
	s20 =	sshll.u32 s6, $0x1;
	s6 =	sadd.s32 s21, s4  }
0xa3: {  	[timem:s8], [sflag:s22] =	dma.local [hbm:s6], s20  }
0xa4: {  	_ =	swait.ge [sflag:s22], s20  }
0xa5: {  	s5 =	ssub.s32 $0x0, s20;
	[sflag:s22] =	ssyncset.done $0x0  }
0xa6: {  	[sflag:s22] =	ssyncadd.s32 s5;
	_ =	sdelay $0x1  }
0xa7: {  	s23 =	simm.s32 $0x1B8B  }
0xa8: {  	_ =	swait.ge [sflag:s23], $0x1  }
0xa9: {  	[sflag:s23] =	ssyncset.done $0x0  }
0xaa: {  	s25 =	simm.s32 $0x1B8E;
	s24 =	sld [smem:$0x3FFE];
	[sflag:s23] =	ssyncadd.s32 $0xFFFFFFFF  }
0xab: {  	s26 =	simm.s32 $execute0_lowered;
	[smem:$0x3FD2] =	sst s25  }
0xac: {  	s6 =	sshll.u32 s26, $0x1;
	_ =	strace $0x80000049;
	[dreg:$0x1] =	wrdreg $0xFFFFFFFF  }
0xad: {  	s28 =	simm.s32 $_size_execute0_lowered;
	s4 =	sadd.s32 s4, s6;
	[dreg:$0x0] =	wrdreg $0x0  }
0xae: {  	s6 =	sshll.u32 s28, $0x1;
	[dreg:$0x2] =	wrdreg s4  }
0xaf: {  	[dreg:$0x3] =	wrdreg s6  }
0xb0: {  	[dreg:$0x4] =	wrdreg $0xC0  }
0xb1: {  	_ =	task [dreg:s8], $0x5FFFF  }
0xb2: {  	[dreg:$0x1] =	wrdreg $0xFFFFFFFF  }
0xb3: {  	[dreg:$0x0] =	wrdreg $0x60  }
0xb4: {  	[dreg:$0x2] =	wrdreg s16  }
0xb5: {  	[dreg:$0x3] =	wrdreg s15  }
0xb6: {  	[dreg:$0x4] =	wrdreg s24  }
0xb7: {  	[dreg:$0x5] =	wrdreg $0x9  }
0xb8: {  	_ =	task.clear_ibuf [dreg:s8], $0x6FFFF;
	_ =	strace $0x90000049  }
0xb9: {  	s29 =	simm.s32 $0x9;
	_ =	strace $0x8000004B  }
0xba: {  	_ =	swait.ge [sflag:s29], $0x1  }
0xbb: {  	[sflag:s29] =	ssyncadd.s32 $0xFFFFFFFF  }
0xbc: {  	_ =	strace $0x9000004B  }
0xbd: {  	_ =	sfence  }
0xbe: {  	s30 =	sld [smem:$0x0];
	_ =	sdelay $0x2  }
0xbf: {  	s31 =	sshll.u32 s1, $0xD;
	s1 =	sshrl.u32 s1, $0x2  }
0xc0: {  	s3 =	sand.u32 $0x4000, s31;
	s1 =	sadd.s32 s1, s30  }
0xc1: {  	s0 =	sor.u32 s3, s0;
	s1 =	sshll.u32 s1, $0x11  }
0xc2: {  	s0 =	sor.u32 s1, s0  }
0xc3: {  	s0 =	sadd.s32 $0x8F2B, s0  }
0xc4: {  	[sflag:s0] =	ssyncadd.remote.s32 $0x1  }
0xc5: {  	_ =	sfence.sel $0xFFFF  }
0xc6: {  	[dreg:$0x0] =	wrdreg $0xFFFFFFFF;
	(pc) =	sbr.abs _section_cstart, $3  }
0xc7: {  	[dreg:$0x1] =	wrdreg $0xFFFFFFFF  }
0xc8: {  	_ =	task.clear_ibuf [dreg:s8], $0x2FFFF;
	_ =	strace $0x9FFFFFFF  }
0xc9: {  	(tm) =	ssettm $0x7FFFFFFF  }
tec
execute0_lowered:
.L_overlay_start_1:
0x0: {  	(tag) =	ssettag $0x1  }
0x1: {  	s2 =	rddreg [dreg:$0x0]  }
0x2: {  	s4 =	rddreg [dreg:$0x1]  }
0x3: {  	s1 =	srdreg.scid;
	s0 =	stileid.u32  }
0x4: {  	s6 =	rddreg [dreg:$0x2];
	s7 =	sand.u32 $0x1, s1;
	s5 =	sshll.u32 s0, $0x1  }
0x5: {  	s3 =	simm.s32 $0x0;
	s1 =	rddreg [dreg:$0x3];
	s8 =	sor.u32 s7, s5  }
0x6: {  	[smem:$0x7FF] =	sst s3;
	s5 =	sshll.u32 s8, $0x4  }
0x7: {  	_ =	strace $0x8000004A;
	s9 =	sadd.s32 s5, s6;
	s11 =	sadd.s32 s4, s5  }
0x8: {  	[tilespmem:s3], [sflag:$0x1] =	stream.linear.gather [hbm4b:s11+s3], $0x80, $0x38;
	[tilespmem:$0x380] =	vst v63  }
0x9: {  	s4 =	simm.s32 $0x80;
	s12 =	sadd.s32 $0x1000, s9  }
0xa: {  	[tilespmem:s4], [sflag:$0x2] =	stream.linear.gather [hbm4b:s12+s3], $0x80, $0x38;
	[tilespmem:$0x380] =	vst v63  }
0xb: {  	s14 =	simm.s32 $0x100;
	s13 =	sadd.s32 $0x1200, s9  }
0xc: {  	[tilespmem:s14], [sflag:$0x3] =	stream.linear.gather [hbm4b:s13+s3], $0x80, $0x38;
	[tilespmem:$0x380] =	vst v63  }
0xd: {  	s16 =	simm.s32 $0x180;
	s15 =	sadd.s32 $0x1400, s9  }
0xe: {  	[tilespmem:s16], [sflag:$0x4] =	stream.linear.gather [hbm4b:s15+s3], $0x80, $0x38;
	[tilespmem:$0x380] =	vst v63  }
0xf: {  	s18 =	simm.s32 $0x200;
	s17 =	sadd.s32 $0x1600, s6;
	s5 =	simm.s32 $0x2  }
0x10: {  	[tilespmem:s18], [sflag:$0x5] =	stream.linear.gather [hbm4b:s17+s3], $0x10, $0x38;
	[tilespmem:$0x380] =	vst v63  }
0x11: {  	_ =	swait.ge [sflag:s5], $0x80  }
0x12: {  	[sflag:s5] =	ssyncset.done $0x0  }
0x13: {  	s19 =	simm.s32 $0x3;
	[sflag:s5] =	ssyncadd.s32 $0xFFFFFF80  }
0x14: {  	_ =	swait.ge [sflag:s19], $0x80  }
0x15: {  	[sflag:s19] =	ssyncset.done $0x0  }
0x16: {  	s20 =	simm.s32 $0x4;
	[sflag:s19] =	ssyncadd.s32 $0xFFFFFF80  }
0x17: {  	_ =	swait.ge [sflag:s20], $0x80  }
0x18: {  	[sflag:s20] =	ssyncset.done $0x0  }
0x19: {  	[sflag:s20] =	ssyncadd.s32 $0xFFFFFF80  }
0x1a: {  	s7 =	ssub.s32 $0x2, s7;
	v4 =	vld [tilespmem:$0x160]  }
0x1b: {  	s31 =	sshrl.u32 s7, $0x1;
	v0 =	vld [tilespmem:$0x120]  }
0x1c: {  	s30 =	sshll.u32 s8, $0x1;
	s7 =	ssub.s32 s7, s31;
	v5 =	vld [tilespmem:$0x130]  }
0x1d: {  	p0 =	seq.s32 s8, $0x0;
	s8 =	simm.f32 $6.249999970e-14;
	s21 =	smax.u32 s7, $0x1;
	v7 =	vld [tilespmem:$0x150]  }
0x1e: {  	s8 =	simm.s32 @!p0 $0x0;
	p0 =	sne.s32 s21, $0x1;
	v1 =	vld [tilespmem:$0x90]  }
.Ltmp0:
0x1f: {  	v8 =	vld [tilespmem:$0xA0];
	(pc) =	sbr.rel @!p0 .LBB2_2-.Ltmp0, $4  }
0x20: {  	v3 =	vld [tilespmem:$0x80]  }
0x21: {  	s6 =	sadd.s32 s30, s6;
	v2 =	vld [tilespmem:$0x180]  }
0x22: {  	s10 =	simm.s32 $0x5;
	s6 =	sadd.s32 $0x1800, s6;
	s7 =	simm.s32 $0x1;
	v10 =	vld [tilespmem:$0xD0];
	v9 =	vmul.f32 $1.000000000e+10, v0  }
0x23: {  	s9 =	simm.s32 $0x300;
	s21 =	sadd.s32 $0xFFFFFFFF, s21;
	v6 =	vld [tilespmem:$0x190];
	v0 =	vmov s8;
	s8 =	simm.s32 $0x280;
	v5 =	vmul.f32 $1.000000000e+10, v5;
	(erf) = vrcp.f32 v1  }
.LBB2_1:
0x24: {  	p0 =	sne.s32 s21, $0x1;
	s21 =	sadd.s32 $0xFFFFFFFF, s21;
	v11 =	vld [tilespmem:$0x110];
	v12 =	vmul.f32 $9.900000090e-01, v8  }
0x25: {  	v13 =	vld [tilespmem:$0xE0];
	(erf) = vrcp.f32 v3  }
0x26: {  	v7 =	vmul.f32 $1.000000000e+10, v7;
	v9 =	vadd.f32 v9, v12;
	v12 =	vld [tilespmem:$0xB0]  }
0x27: {  	v14 =	vld [tilespmem:$0xC0];
	v15 =	vmul.f32 $9.900000090e-01, v10;
	(erf) = vrcp.f32 v10  }
0x28: {  	v10 =	vld [tilespmem:$0x100];
	[tilespmem:$0x2A0] =	vst v9;
	(erf) = vrcp.f32 v8  }
0x29: {  	v4 =	vmul.f32 $1.000000000e+10, v4;
	v8 =	vld [tilespmem:$0x140];
	v7 =	vadd.f32 v7, v15  }
0x2a: {  	v17 =	vmul.f32 $9.900000090e-01, v13;
	v15 =	vld [tilespmem:$0xF0];
	(erf) = vrcp.f32 v13  }
0x2b: {  	v13 =	vmul.f32 $9.900000090e-01, v12;
	[tilespmem:$0x2D0] =	vst v7;
	v7 =	vld [tilespmem:$0x170];
	(erf) = vrcp.f32 v12  }
0x2c: {  	v12 =	vld [tilespmem:$0x1A0];
	v16 =	vmul.f32 $9.900000090e-01, v14;
	v17 =	vadd.f32 v4, v17;
	v9 =	vpop (erf);
	(erf) = vrcp.f32 v14  }
0x2d: {  	v6 =	vmul.f32 v6, v9;
	v5 =	vadd.f32 v5, v13;
	v9 =	vld [tilespmem:$0x1B0]  }
0x2e: {  	v3 =	vmul.f32 $9.900000090e-01, v3;
	v8 =	vmul.f32 $1.000000000e+10, v8;
	v13 =	vld [tilespmem:$0x1C0];
	[tilespmem:$0x2E0] =	vst v17;
	v4 =	vpop (erf)  }
0x2f: {  	v2 =	vmul.f32 v2, v4;
	v4 =	vmul.f32 $1.000000000e+10, v11;
	[tilespmem:$0x2B0] =	vst v5;
	v5 =	vld [tilespmem:$0x1D0]  }
0x30: {  	v1 =	vmul.f32 $9.900000090e-01, v1;
	v14 =	vmul.f32 $9.900000090e-01, v15;
	v8 =	vadd.f32 v8, v16;
	v11 =	vld [tilespmem:$0x1E0];
	v16 =	vpop (erf)  }
0x31: {  	v10 =	vmul.f32 $1.000000000e+10, v10;
	v19 =	vmul.f32 $1.000000000e+10, v7;
	v2 =	vadd.f32 $0.0e+00, v2;
	v17 =	vld [tilespmem:$0x1F0];
	v18 =	vpop (erf)  }
0x32: {  	v1 =	vadd.f32 v4, v1;
	[tilespmem:$0x2C0] =	vst v8;
	(erf) = vrcp.f32 v15  }
0x33: {  	v3 =	vadd.f32 v10, v3;
	v8 =	vmul.f32 v12, v18;
	v2 =	vadd.f32 v6, v2;
	v6 =	vpop (erf)  }
0x34: {  	[tilespmem:$0x290] =	vst v1;
	v1 =	vadd.f32 v19, v14;
	v7 =	vpop (erf)  }
0x35: {  	[tilespmem:$0x280] =	vst v3;
	v2 =	vadd.f32 v8, v2;
	v3 =	vmul.f32 v9, v7;
	v4 =	vpop (erf)  }
0x36: {  	[tilespmem:$0x2F0] =	vst v1  }
0x37: {  	v1 =	vadd.f32 v3, v2;
	v2 =	vmul.f32 v13, v4;
	_ =	swait.ge [sflag:s10], $0x10  }
0x38: {  	[sflag:s10] =	ssyncset.done $0x0  }
0x39: {  	v1 =	vadd.f32 v2, v1;
	v2 =	vmul.f32 v5, v16;
	[sflag:s10] =	ssyncadd.s32 $0xFFFFFFF0  }
0x3a: {  	v3 =	vld [tilespmem:$0x200]  }
0x3b: {  	v1 =	vadd.f32 v2, v1;
	v2 =	vmul.f32 v11, v6;
	v4 =	vpop (erf);
	_ =	sdelay $0x1  }
0x3c: {  	v1 =	vadd.f32 v2, v1;
	v2 =	vmul.f32 v17, v4;
	_ =	sdelay $0x1  }
0x3d: {  	v1 =	vadd.f32 v2, v1;
	v2 =	vmul.f32 v3, v0;
	_ =	sdelay $0x1  }
0x3e: {  	v1 =	vadd.f32 v2, v1;
	_ =	sdelay $0x1  }
0x3f: {  	[tilespmem:$0x300] =	vst v1  }
0x40: {  	_ =	swait.ge [sflag:s7], $0x80  }
0x41: {  	[sflag:s7] =	ssyncset.done $0x0  }
0x42: {  	[sflag:s7] =	ssyncadd.s32 $0xFFFFFF80  }
0x43: {  	[hbm4b:s2+s4] =	stream.indirect.scatter [tilespmem:s8], [sflag:$0x1], $0x1, s3, s4, $0xb8;
	[tilespmem:$0x380] =	vst v63  }
0x44: {  	_ = 	snop  }
0x45: {  	[hbm4b:s6+s3] =	stream.linear.scatter [tilespmem:s9], [sflag:$0x2], $0x10, $0x38;
	[tilespmem:$0x380] =	vst v63  }
0x46: {  	_ =	swait.ge [sflag:s7], $0x80  }
0x47: {  	[sflag:s7] =	ssyncset.done $0x0  }
0x48: {  	[sflag:s7] =	ssyncadd.s32 $0xFFFFFF80  }
0x49: {  	_ =	swait.ge [sflag:s5], $0x10  }
0x4a: {  	[sflag:s5] =	ssyncset.done $0x0  }
0x4b: {  	[sflag:s5] =	ssyncadd.s32 $0xFFFFFFF0  }
0x4c: {  	[tilespmem:s3], [sflag:$0x1] =	stream.linear.gather [hbm4b:s11+s3], $0x80, $0x38;
	[tilespmem:$0x380] =	vst v63  }
0x4d: {  	_ = 	snop  }
0x4e: {  	[tilespmem:s4], [sflag:$0x2] =	stream.linear.gather [hbm4b:s12+s3], $0x80, $0x38;
	[tilespmem:$0x380] =	vst v63  }
0x4f: {  	_ = 	snop  }
0x50: {  	[tilespmem:s14], [sflag:$0x3] =	stream.linear.gather [hbm4b:s13+s3], $0x80, $0x38;
	[tilespmem:$0x380] =	vst v63  }
0x51: {  	_ = 	snop  }
0x52: {  	[tilespmem:s16], [sflag:$0x4] =	stream.linear.gather [hbm4b:s15+s3], $0x80, $0x38;
	[tilespmem:$0x380] =	vst v63  }
0x53: {  	_ = 	snop  }
0x54: {  	[tilespmem:s18], [sflag:$0x5] =	stream.linear.gather [hbm4b:s17+s3], $0x10, $0x38;
	[tilespmem:$0x380] =	vst v63  }
0x55: {  	_ =	swait.ge [sflag:s5], $0x80  }
0x56: {  	[sflag:s5] =	ssyncset.done $0x0  }
0x57: {  	[sflag:s5] =	ssyncadd.s32 $0xFFFFFF80  }
0x58: {  	_ =	swait.ge [sflag:s19], $0x80  }
0x59: {  	[sflag:s19] =	ssyncset.done $0x0  }
0x5a: {  	[sflag:s19] =	ssyncadd.s32 $0xFFFFFF80  }
0x5b: {  	_ =	swait.ge [sflag:s20], $0x80  }
0x5c: {  	[sflag:s20] =	ssyncset.done $0x0  }
0x5d: {  	[sflag:s20] =	ssyncadd.s32 $0xFFFFFF80  }
0x5e: {  	v4 =	vld [tilespmem:$0x160]  }
0x5f: {  	v5 =	vld [tilespmem:$0x120]  }
0x60: {  	v6 =	vld [tilespmem:$0x130]  }
0x61: {  	v7 =	vld [tilespmem:$0x150]  }
0x62: {  	v1 =	vld [tilespmem:$0x90]  }
.Ltmp1:
0x63: {  	v8 =	vld [tilespmem:$0xA0];
	(pc) =	sbr.rel @p0 .LBB2_1-.Ltmp1, $4  }
0x64: {  	v3 =	vld [tilespmem:$0x80]  }
0x65: {  	v9 =	vmul.f32 $1.000000000e+10, v5;
	v2 =	vld [tilespmem:$0x180];
	v5 =	vmul.f32 $1.000000000e+10, v6  }
0x66: {  	v10 =	vld [tilespmem:$0xD0]  }
0x67: {  	v6 =	vld [tilespmem:$0x190];
	(erf) = vrcp.f32 v1  }
.LBB2_2:
0x68: {  	v11 =	vld [tilespmem:$0xE0]  }
0x69: {  	v12 =	vld [tilespmem:$0xB0];
	(erf) = vrcp.f32 v3  }
0x6a: {  	v14 =	vld [tilespmem:$0xC0]  }
0x6b: {  	v13 =	vmul.f32 $9.900000090e-01, v8;
	v33 =	vld [tilespmem:$0x140]  }
0x6c: {  	v7 =	vmul.f32 $1.000000000e+10, v7;
	v15 =	vld [tilespmem:$0x110];
	(erf) = vrcp.f32 v10  }
0x6d: {  	v16 =	vld [tilespmem:$0x100];
	v4 =	vmul.f32 $1.000000000e+10, v4;
	(erf) = vrcp.f32 v8  }
0x6e: {  	v35 =	vld [tilespmem:$0xF0];
	v1 =	vmul.f32 $9.900000090e-01, v1;
	(erf) = vrcp.f32 v11  }
0x6f: {  	v36 =	vld [tilespmem:$0x170];
	v39 =	vmul.f32 $9.900000090e-01, v3;
	(erf) = vrcp.f32 v12  }
0x70: {  	v34 =	vmul.f32 $9.900000090e-01, v10;
	v11 =	vmul.f32 $9.900000090e-01, v11  }
0x71: {  	v9 =	vadd.f32 v9, v13;
	v17 =	vmul.f32 $9.900000090e-01, v14;
	v18 =	vpop (erf);
	(erf) = vrcp.f32 v14  }
0x72: {  	v37 =	vld [tilespmem:$0x1A0];
	v7 =	vadd.f32 v7, v34;
	v8 =	vmul.f32 $1.000000000e+10, v33;
	v41 =	vmul.f32 $1.000000000e+10, v15;
	v38 =	vpop (erf)  }
0x73: {  	[tilespmem:$0x2A0] =	vst v9;
	v42 =	vmul.f32 $9.900000090e-01, v35;
	v4 =	vadd.f32 v4, v11;
	v2 =	vmul.f32 v2, v38  }
0x74: {  	v40 =	vld [tilespmem:$0x1B0];
	v44 =	vmul.f32 $1.000000000e+10, v16;
	v46 =	vmul.f32 $1.000000000e+10, v36;
	[tilespmem:$0x2D0] =	vst v7;
	v8 =	vadd.f32 v8, v17  }
0x75: {  	v1 =	vadd.f32 v41, v1;
	v6 =	vmul.f32 v6, v18;
	[tilespmem:$0x2E0] =	vst v4;
	v43 =	vpop (erf);
	v2 =	vadd.f32 $0.0e+00, v2  }
0x76: {  	v45 =	vld [tilespmem:$0x1C0];
	v12 =	vmul.f32 $9.900000090e-01, v12;
	v3 =	vadd.f32 v44, v39;
	v51 =	vadd.f32 v46, v42;
	[tilespmem:$0x2C0] =	vst v8;
	v47 =	vpop (erf)  }
0x77: {  	[tilespmem:$0x290] =	vst v1;
	(erf) = vrcp.f32 v35;
	v48 =	vmul.f32 v37, v47;
	v49 =	vpop (erf);
	v2 =	vadd.f32 v6, v2  }
0x78: {  	v50 =	vld [tilespmem:$0x1D0];
	v5 =	vadd.f32 v5, v12;
	[tilespmem:$0x280] =	vst v3;
	v52 =	vpop (erf)  }
0x79: {  	[tilespmem:$0x2F0] =	vst v51;
	v54 =	vmul.f32 v40, v52;
	v2 =	vadd.f32 v48, v2  }
0x7a: {  	v53 =	vld [tilespmem:$0x1E0];
	[tilespmem:$0x2B0] =	vst v5;
	v56 =	vpop (erf)  }
0x7b: {  	v55 =	vld [tilespmem:$0x1F0];
	v58 =	vmul.f32 v45, v56;
	_ =	swait.ge [sflag:s10], $0x10;
	v57 =	vadd.f32 v54, v2  }
0x7c: {  	[sflag:s10] =	ssyncset.done $0x0  }
0x7d: {  	v59 =	vmul.f32 v50, v43;
	[sflag:s10] =	ssyncadd.s32 $0xFFFFFFF0;
	v1 =	vadd.f32 v58, v57  }
0x7e: {  	v60 =	vld [tilespmem:$0x200]  }
0x7f: {  	v61 =	vmul.f32 v53, v49;
	v1 =	vadd.f32 v59, v1  }
0x80: {  	v62 =	vpop (erf)  }
0x81: {  	v63 =	vmul.f32 v55, v62;
	v1 =	vadd.f32 v61, v1;
	_ =	sdelay $0x1  }
0x82: {  	v0 =	vmul.f32 v60, v0;
	v1 =	vadd.f32 v63, v1;
	_ =	sdelay $0x1  }
0x83: {  	v0 =	vadd.f32 v0, v1;
	_ =	sdelay $0x1  }
0x84: {  	[tilespmem:$0x300] =	vst v0  }
0x85: {  	_ =	swait.ge [sflag:s7], $0x80  }
0x86: {  	[sflag:s7] =	ssyncset.done $0x0  }
0x87: {  	[sflag:s7] =	ssyncadd.s32 $0xFFFFFF80  }
0x88: {  	[hbm4b:s2+s4] =	stream.indirect.scatter [tilespmem:s8], [sflag:$0x1], $0x1, s3, s4, $0xb8;
	[tilespmem:$0x380] =	vst v63  }
0x89: {  	_ = 	snop  }
0x8a: {  	[hbm4b:s6+s3] =	stream.linear.scatter [tilespmem:s9], [sflag:$0x2], $0x10, $0x38;
	[tilespmem:$0x380] =	vst v63  }
0x8b: {  	_ =	swait.ge [sflag:s7], $0x80  }
0x8c: {  	[sflag:s7] =	ssyncset.done $0x0  }
0x8d: {  	[sflag:s7] =	ssyncadd.s32 $0xFFFFFF80  }
0x8e: {  	_ =	swait.ge [sflag:s5], $0x10  }
0x8f: {  	[sflag:s5] =	ssyncset.done $0x0  }
0x90: {  	[sflag:s5] =	ssyncadd.s32 $0xFFFFFFF0  }
0x91: {  	_ =	sfence.sel $0x180000  }
0x92: {  	[bflag:$0x0] =	sbarrier.arrive $0xFFFF  }
0x93: {  	p0 =	sne.s32 s0, $0x0;
	_ =	strace $0x9000004A  }
0x94: {  	s0 =	sadd.s32 @!p0 $0x100000, s1;
	[bflag:$0x2] =	sbarrier.arrive $0xFFFF  }
0x95: {  	[sflag:s0] =	ssyncadd.tile.s32 @!p0 $0x1;
	_ =	shalt  }
.Lfunc_end2:
_tile_overlayer_lowered:
.L_overlay_start_2:
0x96: {  	(tag) =	ssettag $0x2  }
0x97: {  	s0 =	rddreg [dreg:$0x0];
	s2 =	stileid.u32  }
0x98: {  	s1 =	rddreg [dreg:$0x1];
	p0 =	sne.s32 s2, $0x0  }
0x99: {  	s3 =	rddreg [dreg:$0x2];
	[bflag:$0x3] =	sbarrier.arrive $0xFFFF;
	s2 =	simm.s32 @!p0 $0x1C06  }
0x9a: {  	[timem:s3], [sflag:s2] =	dma.local @!p0 [hbm:s0], s1  }
0x9b: {  	s0 =	simm.s32 @!p0 $0x6  }
0x9c: {  	_ =	swait.ge @!p0 [sflag:s0], s1  }
0x9d: {  	s1 =	ssub.s32 @!p0 $0x0, s1;
	[sflag:s0] =	ssyncset.done @!p0 $0x0  }
0x9e: {  	[sflag:s0] =	ssyncadd.s32 @!p0 s1  }
0x9f: {  	[bflag:$0x3] =	sbarrier.arrive $0xFFFF  }
0xa0: {  	_ =	shalt  }

</sc_bundles>
